<compile_context>
chip_gen: v7x
topology: tpu7x:2x2x1
jax: 0.10.2.dev20260603
libtpu: 0.0.44.dev20260713+nightly
codegen_flags: <defaults>
</compile_context>

<pallas_src>
import functools

import jax
import jax.numpy as jnp
from jax import lax
from jax.experimental import pallas as pl
from jax.experimental.pallas import tpu as pltpu
from jax.experimental.pallas import tpu_sc as plsc

_NC = 2
_NS = 16
_NW = _NC * _NS


def _sc_gather(emb_pol, emb_tick, pol_ids, tick_ids, off, n):
    D = emb_pol.shape[1]
    bpw = n // _NW
    hw = bpw // 2
    mesh = plsc.VectorSubcoreMesh(core_axis_name="c", subcore_axis_name="s")

    @functools.partial(
        pl.kernel,
        mesh=mesh,
        out_type=jax.ShapeDtypeStruct((n, 2 * D), jnp.float32),
        scratch_types=[
            pltpu.VMEM((hw,), jnp.int32),
            pltpu.VMEM((hw,), jnp.int32),
            pltpu.VMEM((hw,), jnp.int32),
            pltpu.VMEM((hw,), jnp.int32),
            pltpu.VMEM((hw, D), jnp.float32),
            pltpu.VMEM((hw, D), jnp.float32),
            pltpu.VMEM((hw, D), jnp.float32),
            pltpu.VMEM((hw, D), jnp.float32),
            pltpu.SemaphoreType.DMA,
            pltpu.SemaphoreType.DMA,
            pltpu.SemaphoreType.DMA,
            pltpu.SemaphoreType.DMA,
        ],
    )
    def k(pol_hbm, tick_hbm, pid_hbm, tid_hbm, out_hbm,
          ip0, ip1, it0, it1, rp0, rp1, rt0, rt1, s0, s1, s2, s3):
        wid = lax.axis_index("s") * _NC + lax.axis_index("c")
        base = wid * bpw
        src = off + base
        lp0 = pltpu.async_copy(pid_hbm.at[pl.ds(src, hw)], ip0, s0)
        lp1 = pltpu.async_copy(pid_hbm.at[pl.ds(src + hw, hw)], ip1, s1)
        lt0 = pltpu.async_copy(tid_hbm.at[pl.ds(src, hw)], it0, s2)
        lt1 = pltpu.async_copy(tid_hbm.at[pl.ds(src + hw, hw)], it1, s3)
        lp0.wait()
        g0 = pltpu.async_copy(pol_hbm.at[ip0], rp0, s0)
        lp1.wait()
        g1 = pltpu.async_copy(pol_hbm.at[ip1], rp1, s1)
        lt0.wait()
        g2 = pltpu.async_copy(tick_hbm.at[it0], rt0, s2)
        lt1.wait()
        g3 = pltpu.async_copy(tick_hbm.at[it1], rt1, s3)
        g0.wait()
        w0 = pltpu.async_copy(
            rp0, out_hbm.at[pl.ds(base, hw), pl.ds(0, D)], s0)
        g1.wait()
        w1 = pltpu.async_copy(
            rp1, out_hbm.at[pl.ds(base + hw, hw), pl.ds(0, D)], s1)
        g2.wait()
        w2 = pltpu.async_copy(
            rt0, out_hbm.at[pl.ds(base, hw), pl.ds(D, D)], s2)
        g3.wait()
        w3 = pltpu.async_copy(
            rt1, out_hbm.at[pl.ds(base + hw, hw), pl.ds(D, D)], s3)
        w0.wait()
        w1.wait()
        w2.wait()
        w3.wait()

    return k(emb_pol, emb_tick, pol_ids, tick_ids)


def _tc_mlp(hcat, W1, W2, pack):
    B, K = hcat.shape
    H = W1.shape[1]
    H2 = W2.shape[1]
    BB = 2048

    def body(h_ref, w1, w2, pk, o_ref):
        hb = h_ref[...].astype(jnp.bfloat16)
        h = jnp.dot(hb, w1[...], preferred_element_type=jnp.float32)
        h = jnp.maximum(h + pk[0:1, :], 0.0).astype(jnp.bfloat16)
        h = jnp.dot(h, w2[...], preferred_element_type=jnp.float32)
        h = jnp.maximum(h + pk[1:2, :H2], 0.0)
        o = lax.dot_general(pk[1:2, H2:], h, (((1,), (1,)), ((), ())),
                            preferred_element_type=jnp.float32)
        o_ref[...] = (o + pk[2:3, 0:1]).reshape(o.shape[1])

    out = pl.pallas_call(
        body,
        grid=(B // BB,),
        in_specs=[
            pl.BlockSpec((BB, K), lambda i: (i, 0)),
            pl.BlockSpec((K, H), lambda i: (0, 0)),
            pl.BlockSpec((H, H2), lambda i: (0, 0)),
            pl.BlockSpec((3, H), lambda i: (0, 0)),
        ],
        out_specs=pl.BlockSpec((BB,), lambda i: (i,)),
        out_shape=jax.ShapeDtypeStruct((B,), jnp.float32),
    )(hcat, W1, W2, pack)
    return out


def kernel(pol_ids, tick_ids, emb_pol, emb_tick, W1, b1, W2, b2, W3, b3):
    H = W1.shape[1]
    H2 = W2.shape[1]
    W1b = W1.astype(jnp.bfloat16)
    W2b = W2.astype(jnp.bfloat16)
    pack = jnp.zeros((3, H), jnp.float32)
    pack = pack.at[0].set(b1)
    pack = pack.at[1, :H2].set(b2)
    pack = pack.at[1, H2:].set(W3[:, 0])
    pack = pack.at[2, 0].set(b3[0])

    C = 2
    B = pol_ids.shape[0]
    CB = B // C
    pol_ids = pol_ids.astype(jnp.int32)
    tick_ids = tick_ids.astype(jnp.int32)
    hcats = [
        _sc_gather(emb_pol, emb_tick, pol_ids, tick_ids, c * CB, CB)
        for c in range(C)
    ]
    outs = [_tc_mlp(hc, W1b, W2b, pack) for hc in hcats]
    return jnp.concatenate(outs)

# --- scband reference (transcript-rebuilt; emitter-appended) ---
"""Pipeline reference for scband-embedding-mlp-48344151884195 (READ-ONLY COPY).

The authoritative reference and input builder live on the scoring server;
editing this copy changes nothing except your own understanding.
"""

import jax, jax.numpy as jnp
import numpy as np

N_POL = 100000
N_TICK = 100000
EMB = 128
HID = 1024
BATCH = 16384


def setup_inputs(seed: int = 0) -> dict:
    key = jax.random.key(seed)
    ks = jax.random.split(key, 10)
    pol_ids = jax.random.randint(ks[0], (BATCH,), 0, N_POL, dtype=jnp.int64 if jax.config.jax_enable_x64 else jnp.int32)
    tick_ids = jax.random.randint(ks[1], (BATCH,), 0, N_TICK, dtype=jnp.int64 if jax.config.jax_enable_x64 else jnp.int32)
    emb_pol = jax.random.normal(ks[2], (N_POL, EMB), dtype=jnp.float32)
    emb_tick = jax.random.normal(ks[3], (N_TICK, EMB), dtype=jnp.float32)
    W1 = jax.random.normal(ks[4], (2 * EMB, HID), dtype=jnp.float32) * (1.0 / np.sqrt(2 * EMB))
    b1 = jnp.zeros((HID,), dtype=jnp.float32)
    W2 = jax.random.normal(ks[5], (HID, HID // 2), dtype=jnp.float32) * (1.0 / np.sqrt(HID))
    b2 = jnp.zeros((HID // 2,), dtype=jnp.float32)
    W3 = jax.random.normal(ks[6], (HID // 2, 1), dtype=jnp.float32) * (1.0 / np.sqrt(HID // 2))
    b3 = jnp.zeros((1,), dtype=jnp.float32)
    return {"pol_ids": pol_ids, "tick_ids": tick_ids, "emb_pol": emb_pol, "emb_tick": emb_tick,
            "W1": W1, "b1": b1, "W2": W2, "b2": b2, "W3": W3, "b3": b3}


def reference(pol_ids, tick_ids, emb_pol, emb_tick, W1, b1, W2, b2, W3, b3):
    # embedding lookups (gather)
    e_pol = jnp.take(emb_pol, pol_ids, axis=0)
    e_tick = jnp.take(emb_tick, tick_ids, axis=0)
    h = jnp.concatenate([e_pol, e_tick], axis=-1)
    # MLP (Dropout is identity at inference)
    h = jax.nn.relu(h @ W1 + b1)
    h = jax.nn.relu(h @ W2 + b2)
    out = h @ W3 + b3
    return jnp.squeeze(out, axis=-1)

if __name__ == "__main__":
    import jax
    _d = setup_inputs()
    print(jax.jit(kernel)(*tuple(_d.values())))

</pallas_src>

<mosaic_0001>
#map = affine_map<(d0, d1) -> (0, 0)>
#map1 = affine_map<(d0, d1) -> (0)>
module attributes {stable_mosaic.version = 14 : i64} {
  func.func @k(%arg0: i32, %arg1: i32, %arg2: memref<100000x128xf32, #tpu.memory_space<hbm>>, %arg3: memref<100000x128xf32, #tpu.memory_space<hbm>>, %arg4: memref<16384xi32, #tpu.memory_space<hbm>>, %arg5: memref<16384xi32, #tpu.memory_space<hbm>>, %arg6: memref<8192x256xf32, #tpu.memory_space<hbm>>, %arg7: memref<128xi32, #tpu.memory_space<vmem>>, %arg8: memref<128xi32, #tpu.memory_space<vmem>>, %arg9: memref<128xi32, #tpu.memory_space<vmem>>, %arg10: memref<128xi32, #tpu.memory_space<vmem>>, %arg11: memref<128x128xf32, #tpu.memory_space<vmem>>, %arg12: memref<128x128xf32, #tpu.memory_space<vmem>>, %arg13: memref<128x128xf32, #tpu.memory_space<vmem>>, %arg14: memref<128x128xf32, #tpu.memory_space<vmem>>, %arg15: memref<!tpu.dma_semaphore, #tpu.memory_space<semaphore_mem>>, %arg16: memref<!tpu.dma_semaphore, #tpu.memory_space<semaphore_mem>>, %arg17: memref<!tpu.dma_semaphore, #tpu.memory_space<semaphore_mem>>, %arg18: memref<!tpu.dma_semaphore, #tpu.memory_space<semaphore_mem>>) attributes {dimension_semantics = [#tpu.dimension_semantics<core_parallel>, #tpu.dimension_semantics<subcore_parallel>], iteration_bounds = array<i64: 2, 16>, scalar_prefetch = 0 : i64, scratch_operands = 12 : i64, tpu.core_type = #tpu.core_type<sc_vector_subcore>, window_params = [{transform_indices = #map}, {transform_indices = #map}, {transform_indices = #map1}, {transform_indices = #map1}, {transform_indices = #map}]} {
    %mul3A = arith.constant 2 : i32
    %mul3A_0 = arith.muli %arg1, %mul3A : i32
    %add3A = arith.addi %mul3A_0, %arg0 : i32
    %mul3A_1 = arith.constant 256 : i32
    %mul3A_2 = arith.muli %add3A, %mul3A_1 : i32
    %add3A_3 = arith.constant 8192 : i32
    %add3A_4 = arith.addi %add3A_3, %mul3A_2 : i32
    %dma_start3A = tpu.memref_slice %arg4[%add3A_4] : memref<16384xi32, #tpu.memory_space<hbm>> -> memref<128xi32, #tpu.memory_space<hbm>>
    %dma_start3A_5 = tpu.memref_slice %arg4[%add3A_4] : memref<16384xi32, #tpu.memory_space<hbm>> -> memref<128xi32, #tpu.memory_space<hbm>>
    tpu.enqueue_dma source(%dma_start3A_5 : memref<128xi32, #tpu.memory_space<hbm>>) target(%arg7 : memref<128xi32, #tpu.memory_space<vmem>>) target_semaphore(%arg15 : memref<!tpu.dma_semaphore, #tpu.memory_space<semaphore_mem>>)
    %add3A_6 = arith.constant 128 : i32
    %add3A_7 = arith.addi %add3A_4, %add3A_6 : i32
    %dma_start3A_8 = tpu.memref_slice %arg4[%add3A_7] : memref<16384xi32, #tpu.memory_space<hbm>> -> memref<128xi32, #tpu.memory_space<hbm>>
    %dma_start3A_9 = tpu.memref_slice %arg4[%add3A_7] : memref<16384xi32, #tpu.memory_space<hbm>> -> memref<128xi32, #tpu.memory_space<hbm>>
    tpu.enqueue_dma source(%dma_start3A_9 : memref<128xi32, #tpu.memory_space<hbm>>) target(%arg8 : memref<128xi32, #tpu.memory_space<vmem>>) target_semaphore(%arg16 : memref<!tpu.dma_semaphore, #tpu.memory_space<semaphore_mem>>)
    %dma_start3A_10 = tpu.memref_slice %arg5[%add3A_4] : memref<16384xi32, #tpu.memory_space<hbm>> -> memref<128xi32, #tpu.memory_space<hbm>>
    %dma_start3A_11 = tpu.memref_slice %arg5[%add3A_4] : memref<16384xi32, #tpu.memory_space<hbm>> -> memref<128xi32, #tpu.memory_space<hbm>>
    tpu.enqueue_dma source(%dma_start3A_11 : memref<128xi32, #tpu.memory_space<hbm>>) target(%arg9 : memref<128xi32, #tpu.memory_space<vmem>>) target_semaphore(%arg17 : memref<!tpu.dma_semaphore, #tpu.memory_space<semaphore_mem>>)
    %add3A_12 = arith.constant 128 : i32
    %add3A_13 = arith.addi %add3A_4, %add3A_12 : i32
    %dma_start3A_14 = tpu.memref_slice %arg5[%add3A_13] : memref<16384xi32, #tpu.memory_space<hbm>> -> memref<128xi32, #tpu.memory_space<hbm>>
    %dma_start3A_15 = tpu.memref_slice %arg5[%add3A_13] : memref<16384xi32, #tpu.memory_space<hbm>> -> memref<128xi32, #tpu.memory_space<hbm>>
    tpu.enqueue_dma source(%dma_start3A_15 : memref<128xi32, #tpu.memory_space<hbm>>) target(%arg10 : memref<128xi32, #tpu.memory_space<vmem>>) target_semaphore(%arg18 : memref<!tpu.dma_semaphore, #tpu.memory_space<semaphore_mem>>)
    %dma_wait3A = tpu.memref_slice %arg4[%add3A_4] : memref<16384xi32, #tpu.memory_space<hbm>> -> memref<128xi32, #tpu.memory_space<hbm>>
    %dma_wait3A_16 = tpu.memref_slice %arg4[%add3A_4] : memref<16384xi32, #tpu.memory_space<hbm>> -> memref<128xi32, #tpu.memory_space<hbm>>
    tpu.wait_dma2 semaphore(%arg15 : memref<!tpu.dma_semaphore, #tpu.memory_space<semaphore_mem>>) src(%dma_wait3A_16 : memref<128xi32, #tpu.memory_space<hbm>>) dst(%arg7 : memref<128xi32, #tpu.memory_space<vmem>>)
    %dma_start3A_17 = arith.constant 0 : i32
    %dma_start3A_18 = arith.constant 0 : i32
    %dma_start3A_19 = tpu.memref_slice %arg2[%dma_start3A_17, %dma_start3A_18] : memref<100000x128xf32, #tpu.memory_space<hbm>> -> memref<100000x128xf32, #tpu.memory_space<hbm>>
    tpu.enqueue_indirect_dma source(%dma_start3A_19 : memref<100000x128xf32, #tpu.memory_space<hbm>>) target(%arg11 : memref<128x128xf32, #tpu.memory_space<vmem>>) offsets(%arg7 : memref<128xi32, #tpu.memory_space<vmem>>) semaphore(%arg15 : memref<!tpu.dma_semaphore, #tpu.memory_space<semaphore_mem>>)
    %dma_wait3A_20 = tpu.memref_slice %arg4[%add3A_7] : memref<16384xi32, #tpu.memory_space<hbm>> -> memref<128xi32, #tpu.memory_space<hbm>>
    %dma_wait3A_21 = tpu.memref_slice %arg4[%add3A_7] : memref<16384xi32, #tpu.memory_space<hbm>> -> memref<128xi32, #tpu.memory_space<hbm>>
    tpu.wait_dma2 semaphore(%arg16 : memref<!tpu.dma_semaphore, #tpu.memory_space<semaphore_mem>>) src(%dma_wait3A_21 : memref<128xi32, #tpu.memory_space<hbm>>) dst(%arg8 : memref<128xi32, #tpu.memory_space<vmem>>)
    %dma_start3A_22 = arith.constant 0 : i32
    %dma_start3A_23 = arith.constant 0 : i32
    %dma_start3A_24 = tpu.memref_slice %arg2[%dma_start3A_22, %dma_start3A_23] : memref<100000x128xf32, #tpu.memory_space<hbm>> -> memref<100000x128xf32, #tpu.memory_space<hbm>>
    tpu.enqueue_indirect_dma source(%dma_start3A_24 : memref<100000x128xf32, #tpu.memory_space<hbm>>) target(%arg12 : memref<128x128xf32, #tpu.memory_space<vmem>>) offsets(%arg8 : memref<128xi32, #tpu.memory_space<vmem>>) semaphore(%arg16 : memref<!tpu.dma_semaphore, #tpu.memory_space<semaphore_mem>>)
    %dma_wait3A_25 = tpu.memref_slice %arg5[%add3A_4] : memref<16384xi32, #tpu.memory_space<hbm>> -> memref<128xi32, #tpu.memory_space<hbm>>
    %dma_wait3A_26 = tpu.memref_slice %arg5[%add3A_4] : memref<16384xi32, #tpu.memory_space<hbm>> -> memref<128xi32, #tpu.memory_space<hbm>>
    tpu.wait_dma2 semaphore(%arg17 : memref<!tpu.dma_semaphore, #tpu.memory_space<semaphore_mem>>) src(%dma_wait3A_26 : memref<128xi32, #tpu.memory_space<hbm>>) dst(%arg9 : memref<128xi32, #tpu.memory_space<vmem>>)
    %dma_start3A_27 = arith.constant 0 : i32
    %dma_start3A_28 = arith.constant 0 : i32
    %dma_start3A_29 = tpu.memref_slice %arg3[%dma_start3A_27, %dma_start3A_28] : memref<100000x128xf32, #tpu.memory_space<hbm>> -> memref<100000x128xf32, #tpu.memory_space<hbm>>
    tpu.enqueue_indirect_dma source(%dma_start3A_29 : memref<100000x128xf32, #tpu.memory_space<hbm>>) target(%arg13 : memref<128x128xf32, #tpu.memory_space<vmem>>) offsets(%arg9 : memref<128xi32, #tpu.memory_space<vmem>>) semaphore(%arg17 : memref<!tpu.dma_semaphore, #tpu.memory_space<semaphore_mem>>)
    %dma_wait3A_30 = tpu.memref_slice %arg5[%add3A_13] : memref<16384xi32, #tpu.memory_space<hbm>> -> memref<128xi32, #tpu.memory_space<hbm>>
    %dma_wait3A_31 = tpu.memref_slice %arg5[%add3A_13] : memref<16384xi32, #tpu.memory_space<hbm>> -> memref<128xi32, #tpu.memory_space<hbm>>
    tpu.wait_dma2 semaphore(%arg18 : memref<!tpu.dma_semaphore, #tpu.memory_space<semaphore_mem>>) src(%dma_wait3A_31 : memref<128xi32, #tpu.memory_space<hbm>>) dst(%arg10 : memref<128xi32, #tpu.memory_space<vmem>>)
    %dma_start3A_32 = arith.constant 0 : i32
    %dma_start3A_33 = arith.constant 0 : i32
    %dma_start3A_34 = tpu.memref_slice %arg3[%dma_start3A_32, %dma_start3A_33] : memref<100000x128xf32, #tpu.memory_space<hbm>> -> memref<100000x128xf32, #tpu.memory_space<hbm>>
    tpu.enqueue_indirect_dma source(%dma_start3A_34 : memref<100000x128xf32, #tpu.memory_space<hbm>>) target(%arg14 : memref<128x128xf32, #tpu.memory_space<vmem>>) offsets(%arg10 : memref<128xi32, #tpu.memory_space<vmem>>) semaphore(%arg18 : memref<!tpu.dma_semaphore, #tpu.memory_space<semaphore_mem>>)
    %dma_wait3A_35 = arith.constant 0 : i32
    %dma_wait3A_36 = arith.constant 0 : i32
    %dma_wait3A_37 = tpu.memref_slice %arg2[%dma_wait3A_35, %dma_wait3A_36] : memref<100000x128xf32, #tpu.memory_space<hbm>> -> memref<100000x128xf32, #tpu.memory_space<hbm>>
    tpu.wait_indirect_dma semaphore(%arg15 : memref<!tpu.dma_semaphore, #tpu.memory_space<semaphore_mem>>) src(%dma_wait3A_37 : memref<100000x128xf32, #tpu.memory_space<hbm>>) dst(%arg11 : memref<128x128xf32, #tpu.memory_space<vmem>>)
    %dma_start3A_38 = arith.constant 0 : i32
    %dma_start3A_39 = tpu.memref_slice %arg6[%mul3A_2, %dma_start3A_38] : memref<8192x256xf32, #tpu.memory_space<hbm>> -> memref<128x128xf32, #tpu.memory_space<hbm>>
    %dma_start3A_40 = arith.constant 0 : i32
    %dma_start3A_41 = tpu.memref_slice %arg6[%mul3A_2, %dma_start3A_40] : memref<8192x256xf32, #tpu.memory_space<hbm>> -> memref<128x128xf32, #tpu.memory_space<hbm>>
    tpu.enqueue_dma source(%arg11 : memref<128x128xf32, #tpu.memory_space<vmem>>) target(%dma_start3A_41 : memref<128x128xf32, #tpu.memory_space<hbm>>) target_semaphore(%arg15 : memref<!tpu.dma_semaphore, #tpu.memory_space<semaphore_mem>>)
    %dma_wait3A_42 = arith.constant 0 : i32
    %dma_wait3A_43 = arith.constant 0 : i32
    %dma_wait3A_44 = tpu.memref_slice %arg2[%dma_wait3A_42, %dma_wait3A_43] : memref<100000x128xf32, #tpu.memory_space<hbm>> -> memref<100000x128xf32, #tpu.memory_space<hbm>>
    tpu.wait_indirect_dma semaphore(%arg16 : memref<!tpu.dma_semaphore, #tpu.memory_space<semaphore_mem>>) src(%dma_wait3A_44 : memref<100000x128xf32, #tpu.memory_space<hbm>>) dst(%arg12 : memref<128x128xf32, #tpu.memory_space<vmem>>)
    %add3A_45 = arith.constant 128 : i32
    %add3A_46 = arith.addi %mul3A_2, %add3A_45 : i32
    %dma_start3A_47 = arith.constant 0 : i32
    %dma_start3A_48 = tpu.memref_slice %arg6[%add3A_46, %dma_start3A_47] : memref<8192x256xf32, #tpu.memory_space<hbm>> -> memref<128x128xf32, #tpu.memory_space<hbm>>
    %dma_start3A_49 = arith.constant 0 : i32
    %dma_start3A_50 = tpu.memref_slice %arg6[%add3A_46, %dma_start3A_49] : memref<8192x256xf32, #tpu.memory_space<hbm>> -> memref<128x128xf32, #tpu.memory_space<hbm>>
    tpu.enqueue_dma source(%arg12 : memref<128x128xf32, #tpu.memory_space<vmem>>) target(%dma_start3A_50 : memref<128x128xf32, #tpu.memory_space<hbm>>) target_semaphore(%arg16 : memref<!tpu.dma_semaphore, #tpu.memory_space<semaphore_mem>>)
    %dma_wait3A_51 = arith.constant 0 : i32
    %dma_wait3A_52 = arith.constant 0 : i32
    %dma_wait3A_53 = tpu.memref_slice %arg3[%dma_wait3A_51, %dma_wait3A_52] : memref<100000x128xf32, #tpu.memory_space<hbm>> -> memref<100000x128xf32, #tpu.memory_space<hbm>>
    tpu.wait_indirect_dma semaphore(%arg17 : memref<!tpu.dma_semaphore, #tpu.memory_space<semaphore_mem>>) src(%dma_wait3A_53 : memref<100000x128xf32, #tpu.memory_space<hbm>>) dst(%arg13 : memref<128x128xf32, #tpu.memory_space<vmem>>)
    %dma_start3A_54 = arith.constant 128 : i32
    %dma_start3A_55 = tpu.memref_slice %arg6[%mul3A_2, %dma_start3A_54] : memref<8192x256xf32, #tpu.memory_space<hbm>> -> memref<128x128xf32, #tpu.memory_space<hbm>>
    %dma_start3A_56 = arith.constant 128 : i32
    %dma_start3A_57 = tpu.memref_slice %arg6[%mul3A_2, %dma_start3A_56] : memref<8192x256xf32, #tpu.memory_space<hbm>> -> memref<128x128xf32, #tpu.memory_space<hbm>>
    tpu.enqueue_dma source(%arg13 : memref<128x128xf32, #tpu.memory_space<vmem>>) target(%dma_start3A_57 : memref<128x128xf32, #tpu.memory_space<hbm>>) target_semaphore(%arg17 : memref<!tpu.dma_semaphore, #tpu.memory_space<semaphore_mem>>)
    %dma_wait3A_58 = arith.constant 0 : i32
    %dma_wait3A_59 = arith.constant 0 : i32
    %dma_wait3A_60 = tpu.memref_slice %arg3[%dma_wait3A_58, %dma_wait3A_59] : memref<100000x128xf32, #tpu.memory_space<hbm>> -> memref<100000x128xf32, #tpu.memory_space<hbm>>
    tpu.wait_indirect_dma semaphore(%arg18 : memref<!tpu.dma_semaphore, #tpu.memory_space<semaphore_mem>>) src(%dma_wait3A_60 : memref<100000x128xf32, #tpu.memory_space<hbm>>) dst(%arg14 : memref<128x128xf32, #tpu.memory_space<vmem>>)
    %add3A_61 = arith.constant 128 : i32
    %add3A_62 = arith.addi %mul3A_2, %add3A_61 : i32
    %dma_start3A_63 = arith.constant 128 : i32
    %dma_start3A_64 = tpu.memref_slice %arg6[%add3A_62, %dma_start3A_63] : memref<8192x256xf32, #tpu.memory_space<hbm>> -> memref<128x128xf32, #tpu.memory_space<hbm>>
    %dma_start3A_65 = arith.constant 128 : i32
    %dma_start3A_66 = tpu.memref_slice %arg6[%add3A_62, %dma_start3A_65] : memref<8192x256xf32, #tpu.memory_space<hbm>> -> memref<128x128xf32, #tpu.memory_space<hbm>>
    tpu.enqueue_dma source(%arg14 : memref<128x128xf32, #tpu.memory_space<vmem>>) target(%dma_start3A_66 : memref<128x128xf32, #tpu.memory_space<hbm>>) target_semaphore(%arg18 : memref<!tpu.dma_semaphore, #tpu.memory_space<semaphore_mem>>)
    %dma_wait3A_67 = arith.constant 0 : i32
    %dma_wait3A_68 = tpu.memref_slice %arg6[%mul3A_2, %dma_wait3A_67] : memref<8192x256xf32, #tpu.memory_space<hbm>> -> memref<128x128xf32, #tpu.memory_space<hbm>>
    %dma_wait3A_69 = arith.constant 0 : i32
    %dma_wait3A_70 = tpu.memref_slice %arg6[%mul3A_2, %dma_wait3A_69] : memref<8192x256xf32, #tpu.memory_space<hbm>> -> memref<128x128xf32, #tpu.memory_space<hbm>>
    tpu.wait_dma2 semaphore(%arg15 : memref<!tpu.dma_semaphore, #tpu.memory_space<semaphore_mem>>) src(%arg11 : memref<128x128xf32, #tpu.memory_space<vmem>>) dst(%dma_wait3A_70 : memref<128x128xf32, #tpu.memory_space<hbm>>)
    %dma_wait3A_71 = arith.constant 0 : i32
    %dma_wait3A_72 = tpu.memref_slice %arg6[%add3A_46, %dma_wait3A_71] : memref<8192x256xf32, #tpu.memory_space<hbm>> -> memref<128x128xf32, #tpu.memory_space<hbm>>
    %dma_wait3A_73 = arith.constant 0 : i32
    %dma_wait3A_74 = tpu.memref_slice %arg6[%add3A_46, %dma_wait3A_73] : memref<8192x256xf32, #tpu.memory_space<hbm>> -> memref<128x128xf32, #tpu.memory_space<hbm>>
    tpu.wait_dma2 semaphore(%arg16 : memref<!tpu.dma_semaphore, #tpu.memory_space<semaphore_mem>>) src(%arg12 : memref<128x128xf32, #tpu.memory_space<vmem>>) dst(%dma_wait3A_74 : memref<128x128xf32, #tpu.memory_space<hbm>>)
    %dma_wait3A_75 = arith.constant 128 : i32
    %dma_wait3A_76 = tpu.memref_slice %arg6[%mul3A_2, %dma_wait3A_75] : memref<8192x256xf32, #tpu.memory_space<hbm>> -> memref<128x128xf32, #tpu.memory_space<hbm>>
    %dma_wait3A_77 = arith.constant 128 : i32
    %dma_wait3A_78 = tpu.memref_slice %arg6[%mul3A_2, %dma_wait3A_77] : memref<8192x256xf32, #tpu.memory_space<hbm>> -> memref<128x128xf32, #tpu.memory_space<hbm>>
    tpu.wait_dma2 semaphore(%arg17 : memref<!tpu.dma_semaphore, #tpu.memory_space<semaphore_mem>>) src(%arg13 : memref<128x128xf32, #tpu.memory_space<vmem>>) dst(%dma_wait3A_78 : memref<128x128xf32, #tpu.memory_space<hbm>>)
    %dma_wait3A_79 = arith.constant 128 : i32
    %dma_wait3A_80 = tpu.memref_slice %arg6[%add3A_62, %dma_wait3A_79] : memref<8192x256xf32, #tpu.memory_space<hbm>> -> memref<128x128xf32, #tpu.memory_space<hbm>>
    %dma_wait3A_81 = arith.constant 128 : i32
    %dma_wait3A_82 = tpu.memref_slice %arg6[%add3A_62, %dma_wait3A_81] : memref<8192x256xf32, #tpu.memory_space<hbm>> -> memref<128x128xf32, #tpu.memory_space<hbm>>
    tpu.wait_dma2 semaphore(%arg18 : memref<!tpu.dma_semaphore, #tpu.memory_space<semaphore_mem>>) src(%arg14 : memref<128x128xf32, #tpu.memory_space<vmem>>) dst(%dma_wait3A_82 : memref<128x128xf32, #tpu.memory_space<hbm>>)
    return
  }
}

#map = affine_map<(d0, d1) -> (0, 0)>
#map1 = affine_map<(d0, d1) -> (0)>
module attributes {stable_mosaic.version = 14 : i64} {
  func.func @k(%arg0: i32, %arg1: i32, %arg2: memref<100000x128xf32, #tpu.memory_space<hbm>>, %arg3: memref<100000x128xf32, #tpu.memory_space<hbm>>, %arg4: memref<16384xi32, #tpu.memory_space<hbm>>, %arg5: memref<16384xi32, #tpu.memory_space<hbm>>, %arg6: memref<8192x256xf32, #tpu.memory_space<hbm>>, %arg7: memref<128xi32, #tpu.memory_space<vmem>>, %arg8: memref<128xi32, #tpu.memory_space<vmem>>, %arg9: memref<128xi32, #tpu.memory_space<vmem>>, %arg10: memref<128xi32, #tpu.memory_space<vmem>>, %arg11: memref<128x128xf32, #tpu.memory_space<vmem>>, %arg12: memref<128x128xf32, #tpu.memory_space<vmem>>, %arg13: memref<128x128xf32, #tpu.memory_space<vmem>>, %arg14: memref<128x128xf32, #tpu.memory_space<vmem>>, %arg15: memref<!tpu.dma_semaphore, #tpu.memory_space<semaphore_mem>>, %arg16: memref<!tpu.dma_semaphore, #tpu.memory_space<semaphore_mem>>, %arg17: memref<!tpu.dma_semaphore, #tpu.memory_space<semaphore_mem>>, %arg18: memref<!tpu.dma_semaphore, #tpu.memory_space<semaphore_mem>>) attributes {dimension_semantics = [#tpu.dimension_semantics<core_parallel>, #tpu.dimension_semantics<subcore_parallel>], iteration_bounds = array<i64: 2, 16>, scalar_prefetch = 0 : i64, scratch_operands = 12 : i64, tpu.core_type = #tpu.core_type<sc_vector_subcore>, window_params = [{transform_indices = #map}, {transform_indices = #map}, {transform_indices = #map1}, {transform_indices = #map1}, {transform_indices = #map}]} {
    %mul3A = arith.constant 2 : i32
    %mul3A_0 = arith.muli %arg1, %mul3A : i32
    %add3A = arith.addi %mul3A_0, %arg0 : i32
    %mul3A_1 = arith.constant 256 : i32
    %mul3A_2 = arith.muli %add3A, %mul3A_1 : i32
    %add3A_3 = arith.constant 0 : i32
    %add3A_4 = arith.addi %add3A_3, %mul3A_2 : i32
    %dma_start3A = tpu.memref_slice %arg4[%add3A_4] : memref<16384xi32, #tpu.memory_space<hbm>> -> memref<128xi32, #tpu.memory_space<hbm>>
    %dma_start3A_5 = tpu.memref_slice %arg4[%add3A_4] : memref<16384xi32, #tpu.memory_space<hbm>> -> memref<128xi32, #tpu.memory_space<hbm>>
    tpu.enqueue_dma source(%dma_start3A_5 : memref<128xi32, #tpu.memory_space<hbm>>) target(%arg7 : memref<128xi32, #tpu.memory_space<vmem>>) target_semaphore(%arg15 : memref<!tpu.dma_semaphore, #tpu.memory_space<semaphore_mem>>)
    %add3A_6 = arith.constant 128 : i32
    %add3A_7 = arith.addi %add3A_4, %add3A_6 : i32
    %dma_start3A_8 = tpu.memref_slice %arg4[%add3A_7] : memref<16384xi32, #tpu.memory_space<hbm>> -> memref<128xi32, #tpu.memory_space<hbm>>
    %dma_start3A_9 = tpu.memref_slice %arg4[%add3A_7] : memref<16384xi32, #tpu.memory_space<hbm>> -> memref<128xi32, #tpu.memory_space<hbm>>
    tpu.enqueue_dma source(%dma_start3A_9 : memref<128xi32, #tpu.memory_space<hbm>>) target(%arg8 : memref<128xi32, #tpu.memory_space<vmem>>) target_semaphore(%arg16 : memref<!tpu.dma_semaphore, #tpu.memory_space<semaphore_mem>>)
    %dma_start3A_10 = tpu.memref_slice %arg5[%add3A_4] : memref<16384xi32, #tpu.memory_space<hbm>> -> memref<128xi32, #tpu.memory_space<hbm>>
    %dma_start3A_11 = tpu.memref_slice %arg5[%add3A_4] : memref<16384xi32, #tpu.memory_space<hbm>> -> memref<128xi32, #tpu.memory_space<hbm>>
    tpu.enqueue_dma source(%dma_start3A_11 : memref<128xi32, #tpu.memory_space<hbm>>) target(%arg9 : memref<128xi32, #tpu.memory_space<vmem>>) target_semaphore(%arg17 : memref<!tpu.dma_semaphore, #tpu.memory_space<semaphore_mem>>)
    %add3A_12 = arith.constant 128 : i32
    %add3A_13 = arith.addi %add3A_4, %add3A_12 : i32
    %dma_start3A_14 = tpu.memref_slice %arg5[%add3A_13] : memref<16384xi32, #tpu.memory_space<hbm>> -> memref<128xi32, #tpu.memory_space<hbm>>
    %dma_start3A_15 = tpu.memref_slice %arg5[%add3A_13] : memref<16384xi32, #tpu.memory_space<hbm>> -> memref<128xi32, #tpu.memory_space<hbm>>
    tpu.enqueue_dma source(%dma_start3A_15 : memref<128xi32, #tpu.memory_space<hbm>>) target(%arg10 : memref<128xi32, #tpu.memory_space<vmem>>) target_semaphore(%arg18 : memref<!tpu.dma_semaphore, #tpu.memory_space<semaphore_mem>>)
    %dma_wait3A = tpu.memref_slice %arg4[%add3A_4] : memref<16384xi32, #tpu.memory_space<hbm>> -> memref<128xi32, #tpu.memory_space<hbm>>
    %dma_wait3A_16 = tpu.memref_slice %arg4[%add3A_4] : memref<16384xi32, #tpu.memory_space<hbm>> -> memref<128xi32, #tpu.memory_space<hbm>>
    tpu.wait_dma2 semaphore(%arg15 : memref<!tpu.dma_semaphore, #tpu.memory_space<semaphore_mem>>) src(%dma_wait3A_16 : memref<128xi32, #tpu.memory_space<hbm>>) dst(%arg7 : memref<128xi32, #tpu.memory_space<vmem>>)
    %dma_start3A_17 = arith.constant 0 : i32
    %dma_start3A_18 = arith.constant 0 : i32
    %dma_start3A_19 = tpu.memref_slice %arg2[%dma_start3A_17, %dma_start3A_18] : memref<100000x128xf32, #tpu.memory_space<hbm>> -> memref<100000x128xf32, #tpu.memory_space<hbm>>
    tpu.enqueue_indirect_dma source(%dma_start3A_19 : memref<100000x128xf32, #tpu.memory_space<hbm>>) target(%arg11 : memref<128x128xf32, #tpu.memory_space<vmem>>) offsets(%arg7 : memref<128xi32, #tpu.memory_space<vmem>>) semaphore(%arg15 : memref<!tpu.dma_semaphore, #tpu.memory_space<semaphore_mem>>)
    %dma_wait3A_20 = tpu.memref_slice %arg4[%add3A_7] : memref<16384xi32, #tpu.memory_space<hbm>> -> memref<128xi32, #tpu.memory_space<hbm>>
    %dma_wait3A_21 = tpu.memref_slice %arg4[%add3A_7] : memref<16384xi32, #tpu.memory_space<hbm>> -> memref<128xi32, #tpu.memory_space<hbm>>
    tpu.wait_dma2 semaphore(%arg16 : memref<!tpu.dma_semaphore, #tpu.memory_space<semaphore_mem>>) src(%dma_wait3A_21 : memref<128xi32, #tpu.memory_space<hbm>>) dst(%arg8 : memref<128xi32, #tpu.memory_space<vmem>>)
    %dma_start3A_22 = arith.constant 0 : i32
    %dma_start3A_23 = arith.constant 0 : i32
    %dma_start3A_24 = tpu.memref_slice %arg2[%dma_start3A_22, %dma_start3A_23] : memref<100000x128xf32, #tpu.memory_space<hbm>> -> memref<100000x128xf32, #tpu.memory_space<hbm>>
    tpu.enqueue_indirect_dma source(%dma_start3A_24 : memref<100000x128xf32, #tpu.memory_space<hbm>>) target(%arg12 : memref<128x128xf32, #tpu.memory_space<vmem>>) offsets(%arg8 : memref<128xi32, #tpu.memory_space<vmem>>) semaphore(%arg16 : memref<!tpu.dma_semaphore, #tpu.memory_space<semaphore_mem>>)
    %dma_wait3A_25 = tpu.memref_slice %arg5[%add3A_4] : memref<16384xi32, #tpu.memory_space<hbm>> -> memref<128xi32, #tpu.memory_space<hbm>>
    %dma_wait3A_26 = tpu.memref_slice %arg5[%add3A_4] : memref<16384xi32, #tpu.memory_space<hbm>> -> memref<128xi32, #tpu.memory_space<hbm>>
    tpu.wait_dma2 semaphore(%arg17 : memref<!tpu.dma_semaphore, #tpu.memory_space<semaphore_mem>>) src(%dma_wait3A_26 : memref<128xi32, #tpu.memory_space<hbm>>) dst(%arg9 : memref<128xi32, #tpu.memory_space<vmem>>)
    %dma_start3A_27 = arith.constant 0 : i32
    %dma_start3A_28 = arith.constant 0 : i32
    %dma_start3A_29 = tpu.memref_slice %arg3[%dma_start3A_27, %dma_start3A_28] : memref<100000x128xf32, #tpu.memory_space<hbm>> -> memref<100000x128xf32, #tpu.memory_space<hbm>>
    tpu.enqueue_indirect_dma source(%dma_start3A_29 : memref<100000x128xf32, #tpu.memory_space<hbm>>) target(%arg13 : memref<128x128xf32, #tpu.memory_space<vmem>>) offsets(%arg9 : memref<128xi32, #tpu.memory_space<vmem>>) semaphore(%arg17 : memref<!tpu.dma_semaphore, #tpu.memory_space<semaphore_mem>>)
    %dma_wait3A_30 = tpu.memref_slice %arg5[%add3A_13] : memref<16384xi32, #tpu.memory_space<hbm>> -> memref<128xi32, #tpu.memory_space<hbm>>
    %dma_wait3A_31 = tpu.memref_slice %arg5[%add3A_13] : memref<16384xi32, #tpu.memory_space<hbm>> -> memref<128xi32, #tpu.memory_space<hbm>>
    tpu.wait_dma2 semaphore(%arg18 : memref<!tpu.dma_semaphore, #tpu.memory_space<semaphore_mem>>) src(%dma_wait3A_31 : memref<128xi32, #tpu.memory_space<hbm>>) dst(%arg10 : memref<128xi32, #tpu.memory_space<vmem>>)
    %dma_start3A_32 = arith.constant 0 : i32
    %dma_start3A_33 = arith.constant 0 : i32
    %dma_start3A_34 = tpu.memref_slice %arg3[%dma_start3A_32, %dma_start3A_33] : memref<100000x128xf32, #tpu.memory_space<hbm>> -> memref<100000x128xf32, #tpu.memory_space<hbm>>
    tpu.enqueue_indirect_dma source(%dma_start3A_34 : memref<100000x128xf32, #tpu.memory_space<hbm>>) target(%arg14 : memref<128x128xf32, #tpu.memory_space<vmem>>) offsets(%arg10 : memref<128xi32, #tpu.memory_space<vmem>>) semaphore(%arg18 : memref<!tpu.dma_semaphore, #tpu.memory_space<semaphore_mem>>)
    %dma_wait3A_35 = arith.constant 0 : i32
    %dma_wait3A_36 = arith.constant 0 : i32
    %dma_wait3A_37 = tpu.memref_slice %arg2[%dma_wait3A_35, %dma_wait3A_36] : memref<100000x128xf32, #tpu.memory_space<hbm>> -> memref<100000x128xf32, #tpu.memory_space<hbm>>
    tpu.wait_indirect_dma semaphore(%arg15 : memref<!tpu.dma_semaphore, #tpu.memory_space<semaphore_mem>>) src(%dma_wait3A_37 : memref<100000x128xf32, #tpu.memory_space<hbm>>) dst(%arg11 : memref<128x128xf32, #tpu.memory_space<vmem>>)
    %dma_start3A_38 = arith.constant 0 : i32
    %dma_start3A_39 = tpu.memref_slice %arg6[%mul3A_2, %dma_start3A_38] : memref<8192x256xf32, #tpu.memory_space<hbm>> -> memref<128x128xf32, #tpu.memory_space<hbm>>
    %dma_start3A_40 = arith.constant 0 : i32
    %dma_start3A_41 = tpu.memref_slice %arg6[%mul3A_2, %dma_start3A_40] : memref<8192x256xf32, #tpu.memory_space<hbm>> -> memref<128x128xf32, #tpu.memory_space<hbm>>
    tpu.enqueue_dma source(%arg11 : memref<128x128xf32, #tpu.memory_space<vmem>>) target(%dma_start3A_41 : memref<128x128xf32, #tpu.memory_space<hbm>>) target_semaphore(%arg15 : memref<!tpu.dma_semaphore, #tpu.memory_space<semaphore_mem>>)
    %dma_wait3A_42 = arith.constant 0 : i32
    %dma_wait3A_43 = arith.constant 0 : i32
    %dma_wait3A_44 = tpu.memref_slice %arg2[%dma_wait3A_42, %dma_wait3A_43] : memref<100000x128xf32, #tpu.memory_space<hbm>> -> memref<100000x128xf32, #tpu.memory_space<hbm>>
    tpu.wait_indirect_dma semaphore(%arg16 : memref<!tpu.dma_semaphore, #tpu.memory_space<semaphore_mem>>) src(%dma_wait3A_44 : memref<100000x128xf32, #tpu.memory_space<hbm>>) dst(%arg12 : memref<128x128xf32, #tpu.memory_space<vmem>>)
    %add3A_45 = arith.constant 128 : i32
    %add3A_46 = arith.addi %mul3A_2, %add3A_45 : i32
    %dma_start3A_47 = arith.constant 0 : i32
    %dma_start3A_48 = tpu.memref_slice %arg6[%add3A_46, %dma_start3A_47] : memref<8192x256xf32, #tpu.memory_space<hbm>> -> memref<128x128xf32, #tpu.memory_space<hbm>>
    %dma_start3A_49 = arith.constant 0 : i32
    %dma_start3A_50 = tpu.memref_slice %arg6[%add3A_46, %dma_start3A_49] : memref<8192x256xf32, #tpu.memory_space<hbm>> -> memref<128x128xf32, #tpu.memory_space<hbm>>
    tpu.enqueue_dma source(%arg12 : memref<128x128xf32, #tpu.memory_space<vmem>>) target(%dma_start3A_50 : memref<128x128xf32, #tpu.memory_space<hbm>>) target_semaphore(%arg16 : memref<!tpu.dma_semaphore, #tpu.memory_space<semaphore_mem>>)
    %dma_wait3A_51 = arith.constant 0 : i32
    %dma_wait3A_52 = arith.constant 0 : i32
    %dma_wait3A_53 = tpu.memref_slice %arg3[%dma_wait3A_51, %dma_wait3A_52] : memref<100000x128xf32, #tpu.memory_space<hbm>> -> memref<100000x128xf32, #tpu.memory_space<hbm>>
    tpu.wait_indirect_dma semaphore(%arg17 : memref<!tpu.dma_semaphore, #tpu.memory_space<semaphore_mem>>) src(%dma_wait3A_53 : memref<100000x128xf32, #tpu.memory_space<hbm>>) dst(%arg13 : memref<128x128xf32, #tpu.memory_space<vmem>>)
    %dma_start3A_54 = arith.constant 128 : i32
    %dma_start3A_55 = tpu.memref_slice %arg6[%mul3A_2, %dma_start3A_54] : memref<8192x256xf32, #tpu.memory_space<hbm>> -> memref<128x128xf32, #tpu.memory_space<hbm>>
    %dma_start3A_56 = arith.constant 128 : i32
    %dma_start3A_57 = tpu.memref_slice %arg6[%mul3A_2, %dma_start3A_56] : memref<8192x256xf32, #tpu.memory_space<hbm>> -> memref<128x128xf32, #tpu.memory_space<hbm>>
    tpu.enqueue_dma source(%arg13 : memref<128x128xf32, #tpu.memory_space<vmem>>) target(%dma_start3A_57 : memref<128x128xf32, #tpu.memory_space<hbm>>) target_semaphore(%arg17 : memref<!tpu.dma_semaphore, #tpu.memory_space<semaphore_mem>>)
    %dma_wait3A_58 = arith.constant 0 : i32
    %dma_wait3A_59 = arith.constant 0 : i32
    %dma_wait3A_60 = tpu.memref_slice %arg3[%dma_wait3A_58, %dma_wait3A_59] : memref<100000x128xf32, #tpu.memory_space<hbm>> -> memref<100000x128xf32, #tpu.memory_space<hbm>>
    tpu.wait_indirect_dma semaphore(%arg18 : memref<!tpu.dma_semaphore, #tpu.memory_space<semaphore_mem>>) src(%dma_wait3A_60 : memref<100000x128xf32, #tpu.memory_space<hbm>>) dst(%arg14 : memref<128x128xf32, #tpu.memory_space<vmem>>)
    %add3A_61 = arith.constant 128 : i32
    %add3A_62 = arith.addi %mul3A_2, %add3A_61 : i32
    %dma_start3A_63 = arith.constant 128 : i32
    %dma_start3A_64 = tpu.memref_slice %arg6[%add3A_62, %dma_start3A_63] : memref<8192x256xf32, #tpu.memory_space<hbm>> -> memref<128x128xf32, #tpu.memory_space<hbm>>
    %dma_start3A_65 = arith.constant 128 : i32
    %dma_start3A_66 = tpu.memref_slice %arg6[%add3A_62, %dma_start3A_65] : memref<8192x256xf32, #tpu.memory_space<hbm>> -> memref<128x128xf32, #tpu.memory_space<hbm>>
    tpu.enqueue_dma source(%arg14 : memref<128x128xf32, #tpu.memory_space<vmem>>) target(%dma_start3A_66 : memref<128x128xf32, #tpu.memory_space<hbm>>) target_semaphore(%arg18 : memref<!tpu.dma_semaphore, #tpu.memory_space<semaphore_mem>>)
    %dma_wait3A_67 = arith.constant 0 : i32
    %dma_wait3A_68 = tpu.memref_slice %arg6[%mul3A_2, %dma_wait3A_67] : memref<8192x256xf32, #tpu.memory_space<hbm>> -> memref<128x128xf32, #tpu.memory_space<hbm>>
    %dma_wait3A_69 = arith.constant 0 : i32
    %dma_wait3A_70 = tpu.memref_slice %arg6[%mul3A_2, %dma_wait3A_69] : memref<8192x256xf32, #tpu.memory_space<hbm>> -> memref<128x128xf32, #tpu.memory_space<hbm>>
    tpu.wait_dma2 semaphore(%arg15 : memref<!tpu.dma_semaphore, #tpu.memory_space<semaphore_mem>>) src(%arg11 : memref<128x128xf32, #tpu.memory_space<vmem>>) dst(%dma_wait3A_70 : memref<128x128xf32, #tpu.memory_space<hbm>>)
    %dma_wait3A_71 = arith.constant 0 : i32
    %dma_wait3A_72 = tpu.memref_slice %arg6[%add3A_46, %dma_wait3A_71] : memref<8192x256xf32, #tpu.memory_space<hbm>> -> memref<128x128xf32, #tpu.memory_space<hbm>>
    %dma_wait3A_73 = arith.constant 0 : i32
    %dma_wait3A_74 = tpu.memref_slice %arg6[%add3A_46, %dma_wait3A_73] : memref<8192x256xf32, #tpu.memory_space<hbm>> -> memref<128x128xf32, #tpu.memory_space<hbm>>
    tpu.wait_dma2 semaphore(%arg16 : memref<!tpu.dma_semaphore, #tpu.memory_space<semaphore_mem>>) src(%arg12 : memref<128x128xf32, #tpu.memory_space<vmem>>) dst(%dma_wait3A_74 : memref<128x128xf32, #tpu.memory_space<hbm>>)
    %dma_wait3A_75 = arith.constant 128 : i32
    %dma_wait3A_76 = tpu.memref_slice %arg6[%mul3A_2, %dma_wait3A_75] : memref<8192x256xf32, #tpu.memory_space<hbm>> -> memref<128x128xf32, #tpu.memory_space<hbm>>
    %dma_wait3A_77 = arith.constant 128 : i32
    %dma_wait3A_78 = tpu.memref_slice %arg6[%mul3A_2, %dma_wait3A_77] : memref<8192x256xf32, #tpu.memory_space<hbm>> -> memref<128x128xf32, #tpu.memory_space<hbm>>
    tpu.wait_dma2 semaphore(%arg17 : memref<!tpu.dma_semaphore, #tpu.memory_space<semaphore_mem>>) src(%arg13 : memref<128x128xf32, #tpu.memory_space<vmem>>) dst(%dma_wait3A_78 : memref<128x128xf32, #tpu.memory_space<hbm>>)
    %dma_wait3A_79 = arith.constant 128 : i32
    %dma_wait3A_80 = tpu.memref_slice %arg6[%add3A_62, %dma_wait3A_79] : memref<8192x256xf32, #tpu.memory_space<hbm>> -> memref<128x128xf32, #tpu.memory_space<hbm>>
    %dma_wait3A_81 = arith.constant 128 : i32
    %dma_wait3A_82 = tpu.memref_slice %arg6[%add3A_62, %dma_wait3A_81] : memref<8192x256xf32, #tpu.memory_space<hbm>> -> memref<128x128xf32, #tpu.memory_space<hbm>>
    tpu.wait_dma2 semaphore(%arg18 : memref<!tpu.dma_semaphore, #tpu.memory_space<semaphore_mem>>) src(%arg14 : memref<128x128xf32, #tpu.memory_space<vmem>>) dst(%dma_wait3A_82 : memref<128x128xf32, #tpu.memory_space<hbm>>)
    return
  }
}

module attributes {stable_mosaic.version = 14 : i64} {
  func.func @body(%arg0: i32, %arg1: memref<2048x256xf32, #tpu.memory_space<vmem>>, %arg2: memref<256x1024xbf16, #tpu.memory_space<vmem>>, %arg3: memref<1024x512xbf16, #tpu.memory_space<vmem>>, %arg4: memref<3x1024xf32, #tpu.memory_space<vmem>>, %arg5: memref<2048xf32, #tpu.memory_space<vmem>>) attributes {dimension_semantics = [#tpu.dimension_semantics<arbitrary>], iteration_bounds = array<i64: 4>, scalar_prefetch = 0 : i64, scratch_operands = 0 : i64, tpu.core_type = #tpu.core_type<tc>, window_params = [{transform_indices = @transform_0, window_bounds = array<i64: 2048, 256>}, {pipeline_mode = #tpu.pipeline_mode<synchronous>, transform_indices = @transform_1, window_bounds = array<i64: 256, 1024>}, {pipeline_mode = #tpu.pipeline_mode<synchronous>, transform_indices = @transform_2, window_bounds = array<i64: 1024, 512>}, {pipeline_mode = #tpu.pipeline_mode<synchronous>, transform_indices = @transform_3, window_bounds = array<i64: 3, 1024>}, {transform_indices = @transform_4, window_bounds = array<i64: 2048>}]} {
    %get3A = arith.constant 0 : index
    %get3A_0 = arith.constant 0 : index
    %get3A_1 = vector.load %arg1[%get3A, %get3A_0] : memref<2048x256xf32, #tpu.memory_space<vmem>>, vector<2048x256xf32>
    %convert_element_type3A = arith.truncf %get3A_1 : vector<2048x256xf32> to vector<2048x256xbf16>
    %get3A_2 = arith.constant 0 : index
    %get3A_3 = arith.constant 0 : index
    %get3A_4 = vector.load %arg2[%get3A_2, %get3A_3] : memref<256x1024xbf16, #tpu.memory_space<vmem>>, vector<256x1024xbf16>
    %dot_general3A = arith.constant dense<0.000000e+00> : vector<2048x1024xf32>
    %dot_general3A_5 = tpu.matmul %convert_element_type3A, %get3A_4, %dot_general3A {dimension_numbers = #tpu.dot_dimension_numbers<[1], [0], [0], [1], [0, 0, 1, 1], [], []>, transpose_lhs_hint = false} : vector<2048x256xbf16>, vector<256x1024xbf16>, vector<2048x1024xf32> -> vector<2048x1024xf32>
    %get3A_6 = arith.constant 0 : index
    %get3A_7 = arith.constant 0 : index
    %get3A_8 = vector.load %arg4[%get3A_6, %get3A_7] : memref<3x1024xf32, #tpu.memory_space<vmem>>, vector<1x1024xf32>
    %add3A = vector.broadcast %get3A_8 : vector<1x1024xf32> to vector<2048x1024xf32>
    %add3A_9 = arith.addf %dot_general3A_5, %add3A : vector<2048x1024xf32>
    %max3A = arith.constant 0.000000e+00 : f32
    %max3A_10 = vector.broadcast %max3A : f32 to vector<2048x1024xf32>
    %max3A_11 = arith.maximumf %add3A_9, %max3A_10 : vector<2048x1024xf32>
    %convert_element_type3A_12 = arith.truncf %max3A_11 : vector<2048x1024xf32> to vector<2048x1024xbf16>
    %get3A_13 = arith.constant 0 : index
    %get3A_14 = arith.constant 0 : index
    %get3A_15 = vector.load %arg3[%get3A_13, %get3A_14] : memref<1024x512xbf16, #tpu.memory_space<vmem>>, vector<1024x512xbf16>
    %dot_general3A_16 = arith.constant dense<0.000000e+00> : vector<2048x512xf32>
    %dot_general3A_17 = tpu.matmul %convert_element_type3A_12, %get3A_15, %dot_general3A_16 {dimension_numbers = #tpu.dot_dimension_numbers<[1], [0], [0], [1], [0, 0, 1, 1], [], []>, transpose_lhs_hint = false} : vector<2048x1024xbf16>, vector<1024x512xbf16>, vector<2048x512xf32> -> vector<2048x512xf32>
    %get3A_18 = arith.constant 1 : index
    %get3A_19 = arith.constant 0 : index
    %get3A_20 = vector.load %arg4[%get3A_18, %get3A_19] : memref<3x1024xf32, #tpu.memory_space<vmem>>, vector<1x512xf32>
    %add3A_21 = vector.broadcast %get3A_20 : vector<1x512xf32> to vector<2048x512xf32>
    %add3A_22 = arith.addf %dot_general3A_17, %add3A_21 : vector<2048x512xf32>
    %max3A_23 = arith.constant 0.000000e+00 : f32
    %max3A_24 = vector.broadcast %max3A_23 : f32 to vector<2048x512xf32>
    %max3A_25 = arith.maximumf %add3A_22, %max3A_24 : vector<2048x512xf32>
    %get3A_26 = arith.constant 1 : index
    %get3A_27 = arith.constant 512 : index
    %get3A_28 = vector.load %arg4[%get3A_26, %get3A_27] : memref<3x1024xf32, #tpu.memory_space<vmem>>, vector<1x512xf32>
    %dot_general3A_29 = arith.constant dense<0.000000e+00> : vector<1x2048xf32>
    %dot_general3A_30 = tpu.matmul %get3A_28, %max3A_25, %dot_general3A_29 {dimension_numbers = #tpu.dot_dimension_numbers<[1], [1], [0], [0], [0, 0, 1, 0], [], []>, transpose_lhs_hint = false} : vector<1x512xf32>, vector<2048x512xf32>, vector<1x2048xf32> -> vector<1x2048xf32>
    %get3A_31 = arith.constant 2 : index
    %get3A_32 = arith.constant 0 : index
    %get3A_33 = vector.load %arg4[%get3A_31, %get3A_32] : memref<3x1024xf32, #tpu.memory_space<vmem>>, vector<1x1xf32>
    %add3A_34 = vector.broadcast %get3A_33 : vector<1x1xf32> to vector<1x2048xf32>
    %add3A_35 = arith.addf %dot_general3A_30, %add3A_34 : vector<1x2048xf32>
    %reshape3A = vector.shape_cast %add3A_35 : vector<1x2048xf32> to vector<2048xf32>
    %swap3A = arith.constant 0 : index
    %swap3A_36 = vector.load %arg5[%swap3A] : memref<2048xf32, #tpu.memory_space<vmem>>, vector<2048xf32>
    tpu.vector_store %arg5[%swap3A], %reshape3A {strides = array<i32>} : memref<2048xf32, #tpu.memory_space<vmem>>, vector<2048xf32>,
    return
  }
  func.func @transform_0(%arg0: i32) -> (i32, i32) {
    %c0_i32 = arith.constant 0 : i32
    %c0_i32_0 = arith.constant 0 : i32
    return %arg0, %c0_i32 : i32, i32
  }
  func.func @transform_1(%arg0: i32) -> (i32, i32) {
    %c0_i32 = arith.constant 0 : i32
    %c0_i32_0 = arith.constant 0 : i32
    %c0_i32_1 = arith.constant 0 : i32
    return %c0_i32, %c0_i32_0 : i32, i32
  }
  func.func @transform_2(%arg0: i32) -> (i32, i32) {
    %c0_i32 = arith.constant 0 : i32
    %c0_i32_0 = arith.constant 0 : i32
    %c0_i32_1 = arith.constant 0 : i32
    return %c0_i32, %c0_i32_0 : i32, i32
  }
  func.func @transform_3(%arg0: i32) -> (i32, i32) {
    %c0_i32 = arith.constant 0 : i32
    %c0_i32_0 = arith.constant 0 : i32
    %c0_i32_1 = arith.constant 0 : i32
    return %c0_i32, %c0_i32_0 : i32, i32
  }
  func.func @transform_4(%arg0: i32) -> i32 {
    %c0_i32 = arith.constant 0 : i32
    return %arg0 : i32
  }
}

</mosaic_0001>

<sc_bundles>
// kernel: kernel.6.cloned.1.call-start
scs
__scs_entry_jumppad:
0x0: {  	(pc) =	sbr.rel $0x88, $3  }
0x1: {  	(tag) =	ssettag $0x0;
	lr =	simm.s32 $0x1  }
0x2: {  	[smem:$0x3F97] =	sst lr;
	_ =	strace $0xD0000000  }
0x3: {  	_ = 	snop  }
0x4: {  	_ = 	snop  }
0x5: {  	_ = 	snop  }
0x6: {  	_ = 	snop  }
0x7: {  	_ = 	snop  }
__scs_overlays_trampoline_lowered:
0x8: {  	[smem:$0x3FA6] =	sst s0  }
0x9: {  	[smem:$0x3FA7] =	sst s1  }
0xa: {  	[smem:$0x3FA8] =	sst s2  }
0xb: {  	[smem:$0x3FA9] =	sst s3  }
0xc: {  	[smem:$0x3FAA] =	sst s4  }
0xd: {  	[smem:$0x3FAB] =	sst s5  }
0xe: {  	[smem:$0x3FAC] =	sst s6  }
0xf: {  	[smem:$0x3FAD] =	sst s7  }
0x10: {  	[smem:$0x3FAE] =	sst s8  }
0x11: {  	[smem:$0x3FAF] =	sst s9;
	s0 =	simm.s32 @!p0 $0x0  }
0x12: {  	s1 =	sld [smem:$0x3F95];
	s0 =	simm.s32 @p0 $0x1  }
0x13: {  	[smem:$0x3FB0] =	sst s0;
	s0 =	simm.s32 @!p1 $0x0  }
0x14: {  	s2 =	sld [smem:$0x3F94];
	s0 =	simm.s32 @p1 $0x1  }
0x15: {  	[smem:$0x3FB1] =	sst s0;
	s0 =	simm.s32 @!p2 $0x0  }
0x16: {  	s3 =	sld [smem:$0x3FDB];
	s0 =	simm.s32 @p2 $0x1  }
0x17: {  	s4 =	simm.s32 $0x1BF5;
	[smem:$0x3FB3] =	sst s0  }
0x18: {  	s0 =	sld [smem:$0x3F96];
	_ =	swait.ge [sflag:s4], $0x0  }
0x19: {  	s7 =	sld [smem:$0x3F97]  }
0x1a: {  	s8 =	sadd.s32 $0xFFFFE003, lr  }
0x1b: {  	s9 =	sadd.s32 $0xFFFFFEF7, lr;
	s5 =	simm.s32 $0xFFFFFFFF;
	p2 =	slt.u32 s8, $0xFFFFF086  }
0x1c: {  	p1 =	slt.u32 s9, $0xF7A;
	s5 =	simm.s32 @!p2 $0x0  }
0x1d: {  	s5 =	simm.s32 @p1 $0x1;
	p0 =	seq.s32 s7, s2  }
0x1e: {  	s7 =	smul.u32 @!p0 $0xF7A, s2;
	p2 =	seq.s32 @!p0 s5, $0x0  }
0x1f: {  	s9 =	smul.u32 $0xF7A, s1;
	s8 =	simm.s32 @!p0 $0x1BF5;
	p2 =	por !p2, p0  }
0x20: {  	[sflag:s8] =	ssyncset.s32 @!p0 $0xFFFFF086;
	s6 =	sadd.s32 @!p0 s3, s7;
	s7 =	simm.s32 @!p0 $0x108  }
0x21: {  	s3 =	sadd.s32 s3, s9;
	s6 =	sadd.s32 @!p0 $0x88, s6;
	s7 =	simm.s32 @p2 $0x1082  }
0x22: {  	[simem:s7], [sflag:s8] =	dma.local @!p0 [hbm:s6], $0xF7A  }
0x23: {  	s9 =	sor.u32 $0xD0000000, s2;
	s6 =	simm.s32 $0x108;
	_ =	swait.ge @!p0 [sflag:s8], $0x0  }
0x24: {  	s3 =	sadd.s32 $0x88, s3;
	s6 =	simm.s32 @!p1 $0x1082;
	[sflag:s4] =	ssyncset.s32 $0xFFFFF086  }
0x25: {  	[simem:s6], [sflag:s4] =	dma.local [hbm:s3], $0xF7A  }
0x26: {  	[smem:$0x3F97] =	sst s1;
	(tag) =	ssettag s2;
	_ =	strace s9  }
0x27: {  	s1 =	sld [smem:$0x3FA7]  }
0x28: {  	s2 =	sld [smem:$0x3FA8]  }
0x29: {  	s4 =	sld [smem:$0x3FAA]  }
0x2a: {  	p0 =	seq.s32 s5, $0x0;
	s5 =	sld [smem:$0x3FAB]  }
0x2b: {  	s6 =	sld [smem:$0x3FAC]  }
0x2c: {  	s7 =	sld [smem:$0x3FAD]  }
0x2d: {  	s3 =	simm.s32 $0x108;
	s8 =	sld [smem:$0x3FAE]  }
0x2e: {  	s3 =	simm.s32 @!p0 $0x1082;
	s9 =	sld [smem:$0x3FAF]  }
0x2f: {  	lr =	sadd.s32 s0, s3;
	s0 =	sld [smem:$0x3FA6]  }
0x30: {  	s3 =	sld [smem:$0x3FA9]  }
0x31: {  	[smem:$0x3FB2] =	sst s10  }
0x32: {  	s10 =	sld [smem:$0x3FB0];
	_ =	sdelay $0x3  }
0x33: {  	p0 =	seq.s32 s10, $0x1;
	s10 =	sld [smem:$0x3FB2];
	_ =	sdelay $0x3  }
0x34: {  	[smem:$0x3FB2] =	sst s10  }
0x35: {  	s10 =	sld [smem:$0x3FB1];
	_ =	sdelay $0x3  }
0x36: {  	p1 =	seq.s32 s10, $0x1;
	s10 =	sld [smem:$0x3FB2];
	_ =	sdelay $0x3  }
0x37: {  	[smem:$0x3FB2] =	sst s10  }
0x38: {  	s10 =	sld [smem:$0x3FB3]  }
0x39: {  	_ = 	snop;
	(pc) =	sbr.ind lr, $3  }
0x3a: {  	_ = 	snop  }
0x3b: {  	_ = 	snop  }
0x3c: {  	p2 =	seq.s32 s10, $0x1;
	s10 =	sld [smem:$0x3FB2]  }
0x3d: {  	_ =	shalt  }
0x3e: {  	_ =	shalt  }
0x3f: {  	_ =	shalt  }
0x40: {  	_ =	shalt  }
0x41: {  	_ =	shalt  }
0x42: {  	_ =	shalt  }
0x43: {  	_ =	shalt  }
0x44: {  	_ =	shalt  }
0x45: {  	_ =	shalt  }
0x46: {  	_ =	shalt  }
0x47: {  	_ =	shalt  }
0x48: {  	_ =	shalt  }
0x49: {  	_ =	shalt  }
0x4a: {  	_ =	shalt  }
0x4b: {  	_ =	shalt  }
0x4c: {  	_ =	shalt  }
0x4d: {  	_ =	shalt  }
0x4e: {  	_ =	shalt  }
0x4f: {  	_ =	shalt  }
0x50: {  	_ =	shalt  }
0x51: {  	_ =	shalt  }
0x52: {  	_ =	shalt  }
0x53: {  	_ =	shalt  }
0x54: {  	_ =	shalt  }
0x55: {  	_ =	shalt  }
0x56: {  	_ =	shalt  }
0x57: {  	_ =	shalt  }
0x58: {  	_ =	shalt  }
0x59: {  	_ =	shalt  }
0x5a: {  	_ =	shalt  }
0x5b: {  	_ =	shalt  }
0x5c: {  	_ =	shalt  }
0x5d: {  	_ =	shalt  }
0x5e: {  	_ =	shalt  }
0x5f: {  	_ =	shalt  }
0x60: {  	_ =	shalt  }
0x61: {  	_ =	shalt  }
0x62: {  	_ =	shalt  }
0x63: {  	_ =	shalt  }
0x64: {  	_ =	shalt  }
0x65: {  	_ =	shalt  }
0x66: {  	_ =	shalt  }
0x67: {  	_ =	shalt  }
0x68: {  	_ =	shalt  }
0x69: {  	_ =	shalt  }
0x6a: {  	_ =	shalt  }
0x6b: {  	_ =	shalt  }
0x6c: {  	_ =	shalt  }
0x6d: {  	_ =	shalt  }
0x6e: {  	_ =	shalt  }
0x6f: {  	_ =	shalt  }
0x70: {  	_ =	shalt  }
0x71: {  	_ =	shalt  }
0x72: {  	_ =	shalt  }
0x73: {  	_ =	shalt  }
0x74: {  	_ =	shalt  }
0x75: {  	_ =	shalt  }
0x76: {  	_ =	shalt  }
0x77: {  	_ =	shalt  }
0x78: {  	_ =	shalt  }
0x79: {  	_ =	shalt  }
0x7a: {  	_ =	shalt  }
0x7b: {  	_ =	shalt  }
0x7c: {  	_ =	shalt  }
0x7d: {  	_ =	shalt  }
0x7e: {  	_ =	shalt  }
0x7f: {  	_ =	shalt  }
0x80: {  	_ =	shalt  }
0x81: {  	_ =	shalt  }
0x82: {  	_ =	shalt  }
0x83: {  	_ =	shalt  }
0x84: {  	_ =	shalt  }
0x85: {  	_ =	shalt  }
0x86: {  	_ =	shalt  }
0x87: {  	_ =	shalt  }
.Lfunc_end0:
.L_simem_size_0:
called_computation_lowered:
.L_overlay_start_0:
0x88: {  	s2 =	sld [smem:$0x3FD9]  }
0x89: {  	s3 =	sld [smem:$0x3FFE];
	_ =	sdelay $0x1  }
0x8a: {  	s1 =	srdreg.scid  }
0x8b: {  	s0 =	sand.u32 $0x1, s1  }
0x8c: {  	s17 =	sshll.u32 s0, $0xA;
	s2 =	sadd.s32 s3, s2  }
0x8d: {  	s2 =	sadd.s32 s2, s17  }
0x8e: {  	[smem:$0x3FBE] =	sst s2  }
0x8f: {  	_ = 	snop  }
0x90: {  	s18 =	sld [smem:$0x3FC9]  }
0x91: {  	s4 =	sld [smem:$0x3FC8]  }
0x92: {  	s5 =	sld [smem:$0x3FC7]  }
0x93: {  	s6 =	sld [smem:$0x3FC6];
	(tm) =	ssettm $0x1  }
0x94: {  	s19 =	sld [smem:$0x3FFB];
	_ =	sdelay $0x3  }
0x95: {  	_ =	strace s19  }
0x96: {  	s2 =	sld [smem:$0x3FFC];
	_ =	sdelay $0x3  }
0x97: {  	_ =	strace s2  }
0x98: {  	s2 =	sld [smem:$0x3FFD];
	_ =	sdelay $0x3  }
0x99: {  	_ =	strace s2  }
0x9a: {  	_ =	strace $0x8FFFFFFF  }
0x9b: {  	s20 =	sld [smem:$0x3FDB];
	_ =	sdelay $0x1  }
0x9c: {  	s7 =	simm.s32 $_scs_section_size  }
0x9d: {  	s8 =	simm.s32 $_size__tile_overlayer_lowered;
	s9 =	simm.s32 $_tile_overlayer_lowered  }
0x9e: {  	s10 =	simm.s32 $0x1BFF;
	s21 =	sshll.u32 s9, $0x1;
	s7 =	sadd.s32 s7, s20  }
0x9f: {  	s22 =	simm.s32 $0x0;
	s8 =	sshll.u32 s8, $0x1;
	s9 =	sadd.s32 s21, s7  }
0xa0: {  	[timem:s22], [sflag:s10] =	dma.local [hbm:s9], s8  }
0xa1: {  	_ =	swait.ge [sflag:s10], s8  }
0xa2: {  	s8 =	ssub.s32 $0x0, s8;
	[sflag:s10] =	ssyncset.done $0x0  }
0xa3: {  	[sflag:s10] =	ssyncadd.s32 s8;
	_ =	sdelay $0x1  }
0xa4: {  	s23 =	simm.s32 $0x1B8B  }
0xa5: {  	_ =	swait.ge [sflag:s23], $0x1  }
0xa6: {  	[sflag:s23] =	ssyncset.done $0x0  }
0xa7: {  	[sflag:s23] =	ssyncadd.s32 $0xFFFFFFFF  }
0xa8: {  	s8 =	sld [smem:$0x0]  }
0xa9: {  	s9 =	sand.u32 $0xFFFFFFFE, s1  }
0xaa: {  	p0 =	sne.s32 s1, s9  }
0xab: {  	s9 =	sshll.u32 @p0 s9, $0xE  }
0xac: {  	s9 =	sadd.s32 @p0 $0x11B8D, s9;
	s10 =	sshll.u32 @p0 s8, $0x11  }
0xad: {  	s9 =	sor.u32 @p0 s10, s9  }
0xae: {  	[sflag:s9] =	ssyncadd.remote.s32 @p0 $0x1;
	_ =	sdelay $0x1  }
0xaf: {  	s9 =	simm.s32 @p0 $0x1B8D  }
0xb0: {  	_ =	swait.eq @p0 [sflag:s9], $0x1  }
0xb1: {  	[sflag:s9] =	ssyncadd.s32 @p0 $0xFFFFFFFF  }
0xb2: {  	s10 =	sshll.u32 @!p0 s1, $0xE  }
0xb3: {  	s10 =	sor.u32 @!p0 $0x4000, s10;
	s9 =	simm.s32 @!p0 $0x1B8D  }
0xb4: {  	s8 =	sshll.u32 @!p0 s8, $0x11;
	s10 =	sadd.s32 @!p0 $0x11B8D, s10;
	_ =	swait.eq @!p0 [sflag:s9], $0x1  }
0xb5: {  	s8 =	sor.u32 @!p0 s8, s10;
	[sflag:s9] =	ssyncadd.s32 @!p0 $0xFFFFFFFF  }
0xb6: {  	s25 =	simm.s32 $0x1B8E;
	s24 =	sld [smem:$0x3FFE];
	[sflag:s8] =	ssyncadd.remote.s32 @!p0 $0x1  }
0xb7: {  	s26 =	simm.s32 $execute0_lowered;
	[smem:$0x3FD2] =	sst s25  }
0xb8: {  	s9 =	sshll.u32 s26, $0x1;
	_ =	strace $0x80000049;
	[dreg:$0x1] =	wrdreg $0xFFFFFFFF  }
0xb9: {  	s28 =	simm.s32 $_size_execute0_lowered;
	s7 =	sadd.s32 s7, s9;
	[dreg:$0x0] =	wrdreg $0x0  }
0xba: {  	s9 =	sshll.u32 s28, $0x1;
	[dreg:$0x2] =	wrdreg s7  }
0xbb: {  	[dreg:$0x3] =	wrdreg s9  }
0xbc: {  	[dreg:$0x4] =	wrdreg $0xC0  }
0xbd: {  	_ =	task [dreg:s22], $0x5FFFF  }
0xbe: {  	[dreg:$0x1] =	wrdreg $0xFFFFFFFF  }
0xbf: {  	[dreg:$0x0] =	wrdreg $0x60  }
0xc0: {  	[dreg:$0x2] =	wrdreg s5  }
0xc1: {  	[dreg:$0x3] =	wrdreg s6  }
0xc2: {  	[dreg:$0x4] =	wrdreg s18  }
0xc3: {  	[dreg:$0x5] =	wrdreg s4  }
0xc4: {  	[dreg:$0x6] =	wrdreg s24  }
0xc5: {  	[dreg:$0x7] =	wrdreg $0x9  }
0xc6: {  	_ =	task.clear_ibuf [dreg:s22], $0x8FFFF;
	_ =	strace $0x90000049  }
0xc7: {  	s29 =	simm.s32 $0x9;
	_ =	strace $0x8000004B  }
0xc8: {  	_ =	swait.ge [sflag:s29], $0x1  }
0xc9: {  	[sflag:s29] =	ssyncadd.s32 $0xFFFFFFFF  }
0xca: {  	_ =	strace $0x9000004B  }
0xcb: {  	_ =	sfence  }
0xcc: {  	s30 =	sld [smem:$0x0];
	_ =	sdelay $0x2  }
0xcd: {  	s31 =	sshll.u32 s1, $0xD;
	s1 =	sshrl.u32 s1, $0x2  }
0xce: {  	s4 =	sand.u32 $0x4000, s31;
	s1 =	sadd.s32 s1, s30  }
0xcf: {  	s0 =	sor.u32 s4, s0;
	s1 =	sshll.u32 s1, $0x11  }
0xd0: {  	s0 =	sor.u32 s1, s0  }
0xd1: {  	s0 =	sadd.s32 $0x8F2B, s0  }
0xd2: {  	[sflag:s0] =	ssyncadd.remote.s32 $0x1  }
0xd3: {  	_ =	sfence.sel $0xFFFF  }
0xd4: {  	[dreg:$0x0] =	wrdreg $0xFFFFFFFF;
	(pc) =	sbr.abs _section_cstart, $3  }
0xd5: {  	[dreg:$0x1] =	wrdreg $0xFFFFFFFF  }
0xd6: {  	_ =	task.clear_ibuf [dreg:s22], $0x2FFFF;
	_ =	strace $0x9FFFFFFF  }
0xd7: {  	(tm) =	ssettm $0x7FFFFFFF  }
tec
execute0_lowered:
.L_overlay_start_1:
0x0: {  	(tag) =	ssettag $0x1  }
0x1: {  	s1 =	rddreg [dreg:$0x0]  }
0x2: {  	s2 =	rddreg [dreg:$0x1]  }
0x3: {  	s6 =	rddreg [dreg:$0x2];
	s3 =	srdreg.scid  }
0x4: {  	s10 =	rddreg [dreg:$0x3];
	s0 =	stileid.u32;
	s26 =	sand.u32 $0x1, s3  }
0x5: {  	s24 =	rddreg [dreg:$0x4];
	s5 =	sshll.u32 s0, $0x9;
	s7 =	sshll.u32 s26, $0x8  }
0x6: {  	s4 =	simm.s32 $0x0;
	s3 =	rddreg [dreg:$0x5];
	s20 =	sor.u32 s7, s5  }
0x7: {  	[smem:$0x7FF] =	sst s4;
	s8 =	sshrl.u32 s20, $0x3;
	s23 =	sor.u32 $0x80, s20  }
0x8: {  	_ =	strace $0x8000004A;
	s5 =	sadd.s32 s6, s8;
	s11 =	sshrl.u32 s23, $0x3  }
0x9: {  	[tilespmem:s4], [sflag:$0x1] =	stream.linear.gather [hbm4b:s5+s4], $0x80, $0x38;
	[tilespmem:$0x10200] =	vst v63  }
0xa: {  	s7 =	simm.s32 $0x80;
	s6 =	sadd.s32 s6, s11  }
0xb: {  	[tilespmem:s7], [sflag:$0x2] =	stream.linear.gather [hbm4b:s6+s4], $0x80, $0x38;
	[tilespmem:$0x10200] =	vst v63  }
0xc: {  	s9 =	simm.s32 $0x100;
	s8 =	sadd.s32 s10, s8  }
0xd: {  	[tilespmem:s9], [sflag:$0x3] =	stream.linear.gather [hbm4b:s8+s4], $0x80, $0x38;
	[tilespmem:$0x10200] =	vst v63  }
0xe: {  	s12 =	simm.s32 $0x1;
	s10 =	sadd.s32 s10, s11;
	s11 =	simm.s32 $0x180  }
0xf: {  	[tilespmem:s11], [sflag:$0x4] =	stream.linear.gather [hbm4b:s10+s4], $0x80, $0x38;
	[tilespmem:$0x10200] =	vst v63  }
0x10: {  	_ =	swait.ge [sflag:s12], $0x80  }
0x11: {  	[sflag:s12] =	ssyncset.done $0x0  }
0x12: {  	s13 =	simm.s32 $0x200;
	s14 =	simm.s32 $0x2;
	[sflag:s12] =	ssyncadd.s32 $0xFFFFFF80  }
0x13: {  	[tilespmem:s13], [sflag:$0x1] =	stream.indirect.gather [hbm4b:s1+s7], $0x80, s4, s7, $0xb8;
	[tilespmem:$0x10200] =	vst v63  }
0x14: {  	_ =	swait.ge [sflag:s14], $0x80  }
0x15: {  	[sflag:s14] =	ssyncset.done $0x0  }
0x16: {  	s15 =	simm.s32 $0x4200;
	s16 =	simm.s32 $0x3;
	[sflag:s14] =	ssyncadd.s32 $0xFFFFFF80  }
0x17: {  	[tilespmem:s15], [sflag:$0x2] =	stream.indirect.gather [hbm4b:s1+s7], $0x80, s7, s7, $0xb8;
	[tilespmem:$0x10200] =	vst v63  }
0x18: {  	_ =	swait.ge [sflag:s16], $0x80  }
0x19: {  	[sflag:s16] =	ssyncset.done $0x0  }
0x1a: {  	s18 =	simm.s32 $0x8200;
	s17 =	simm.s32 $0x4;
	[sflag:s16] =	ssyncadd.s32 $0xFFFFFF80  }
0x1b: {  	[tilespmem:s18], [sflag:$0x3] =	stream.indirect.gather [hbm4b:s2+s7], $0x80, s9, s7, $0xb8;
	[tilespmem:$0x10200] =	vst v63  }
0x1c: {  	_ =	swait.ge [sflag:s17], $0x80  }
0x1d: {  	[sflag:s17] =	ssyncset.done $0x0  }
0x1e: {  	s19 =	simm.s32 $0xC200;
	[sflag:s17] =	ssyncadd.s32 $0xFFFFFF80  }
0x1f: {  	[tilespmem:s19], [sflag:$0x4] =	stream.indirect.gather [hbm4b:s2+s7], $0x80, s11, s7, $0xb8;
	[tilespmem:$0x10200] =	vst v63  }
0x20: {  	s21 =	simm.s32 $0x400;
	_ =	swait.ge [sflag:s12], $0x4000  }
0x21: {  	s25 =	sadd.s32 $0x41600, s24;
	s28 =	sshll.u32 s20, $0x5;
	[sflag:s12] =	ssyncset.done $0x0  }
0x22: {  	s22 =	simm.s32 $0x800;
	s20 =	sadd.s32 s25, s28;
	[sflag:s12] =	ssyncadd.s32 $0xFFFFC000  }
0x23: {  	[hbm4b:s20+s21] =	stream.strided.scatter [tilespmem:s13], [sflag:$0x1], $0x4000, s22, s21, $0x38;
	[tilespmem:$0x10200] =	vst v63  }
0x24: {  	_ =	swait.ge [sflag:s14], $0x4000  }
0x25: {  	s29 =	sshll.u32 s23, $0x5;
	[sflag:s14] =	ssyncset.done $0x0  }
0x26: {  	s23 =	sadd.s32 s25, s29;
	[sflag:s14] =	ssyncadd.s32 $0xFFFFC000  }
0x27: {  	[hbm4b:s23+s21] =	stream.strided.scatter [tilespmem:s15], [sflag:$0x2], $0x4000, s22, s21, $0x38;
	[tilespmem:$0x10200] =	vst v63  }
0x28: {  	_ =	swait.ge [sflag:s16], $0x4000  }
0x29: {  	s30 =	sadd.s32 $0x41680, s24;
	[sflag:s16] =	ssyncset.done $0x0  }
0x2a: {  	s24 =	sadd.s32 s28, s30;
	[sflag:s16] =	ssyncadd.s32 $0xFFFFC000  }
0x2b: {  	[hbm4b:s24+s21] =	stream.strided.scatter [tilespmem:s18], [sflag:$0x3], $0x4000, s22, s21, $0x38;
	[tilespmem:$0x10200] =	vst v63  }
0x2c: {  	_ =	swait.ge [sflag:s17], $0x4000  }
0x2d: {  	[sflag:s17] =	ssyncset.done $0x0  }
0x2e: {  	s25 =	sadd.s32 s29, s30;
	[sflag:s17] =	ssyncadd.s32 $0xFFFFC000  }
0x2f: {  	[hbm4b:s25+s21] =	stream.strided.scatter [tilespmem:s19], [sflag:$0x4], $0x4000, s22, s21, $0x38;
	[tilespmem:$0x10200] =	vst v63  }
0x30: {  	_ =	swait.ge [sflag:s12], $0x4000  }
0x31: {  	s26 =	ssub.s32 $0x2, s26;
	[sflag:s12] =	ssyncset.done $0x0  }
0x32: {  	s31 =	sshrl.u32 s26, $0x1;
	[sflag:s12] =	ssyncadd.s32 $0xFFFFC000  }
0x33: {  	s26 =	ssub.s32 s26, s31;
	_ =	swait.ge [sflag:s14], $0x4000  }
0x34: {  	s26 =	smax.u32 s26, $0x1;
	[sflag:s14] =	ssyncset.done $0x0  }
0x35: {  	p0 =	sne.s32 s26, $0x1;
	[sflag:s14] =	ssyncadd.s32 $0xFFFFC000  }
.Ltmp0:
0x36: {  	_ =	swait.ge [sflag:s16], $0x4000;
	(pc) =	sbr.rel @!p0 .LBB2_2-.Ltmp0, $4  }
0x37: {  	[sflag:s16] =	ssyncset.done $0x0  }
0x38: {  	[sflag:s16] =	ssyncadd.s32 $0xFFFFC000  }
0x39: {  	_ =	swait.ge [sflag:s17], $0x4000  }
0x3a: {  	s26 =	sadd.s32 $0xFFFFFFFF, s26;
	[sflag:s17] =	ssyncset.done $0x0  }
.LBB2_1:
0x3b: {  	p0 =	sne.s32 s26, $0x1;
	s26 =	sadd.s32 $0xFFFFFFFF, s26;
	[sflag:s17] =	ssyncadd.s32 $0xFFFFC000  }
0x3c: {  	[tilespmem:s4], [sflag:$0x1] =	stream.linear.gather [hbm4b:s5+s4], $0x80, $0x38;
	[tilespmem:$0x10200] =	vst v63  }
0x3d: {  	_ = 	snop  }
0x3e: {  	[tilespmem:s7], [sflag:$0x2] =	stream.linear.gather [hbm4b:s6+s4], $0x80, $0x38;
	[tilespmem:$0x10200] =	vst v63  }
0x3f: {  	_ = 	snop  }
0x40: {  	[tilespmem:s9], [sflag:$0x3] =	stream.linear.gather [hbm4b:s8+s4], $0x80, $0x38;
	[tilespmem:$0x10200] =	vst v63  }
0x41: {  	_ = 	snop  }
0x42: {  	[tilespmem:s11], [sflag:$0x4] =	stream.linear.gather [hbm4b:s10+s4], $0x80, $0x38;
	[tilespmem:$0x10200] =	vst v63  }
0x43: {  	_ =	swait.ge [sflag:s12], $0x80  }
0x44: {  	[sflag:s12] =	ssyncset.done $0x0  }
0x45: {  	[sflag:s12] =	ssyncadd.s32 $0xFFFFFF80  }
0x46: {  	[tilespmem:s13], [sflag:$0x1] =	stream.indirect.gather [hbm4b:s1+s7], $0x80, s4, s7, $0xb8;
	[tilespmem:$0x10200] =	vst v63  }
0x47: {  	_ =	swait.ge [sflag:s14], $0x80  }
0x48: {  	[sflag:s14] =	ssyncset.done $0x0  }
0x49: {  	[sflag:s14] =	ssyncadd.s32 $0xFFFFFF80  }
0x4a: {  	[tilespmem:s15], [sflag:$0x2] =	stream.indirect.gather [hbm4b:s1+s7], $0x80, s7, s7, $0xb8;
	[tilespmem:$0x10200] =	vst v63  }
0x4b: {  	_ =	swait.ge [sflag:s16], $0x80  }
0x4c: {  	[sflag:s16] =	ssyncset.done $0x0  }
0x4d: {  	[sflag:s16] =	ssyncadd.s32 $0xFFFFFF80  }
0x4e: {  	[tilespmem:s18], [sflag:$0x3] =	stream.indirect.gather [hbm4b:s2+s7], $0x80, s9, s7, $0xb8;
	[tilespmem:$0x10200] =	vst v63  }
0x4f: {  	_ =	swait.ge [sflag:s17], $0x80  }
0x50: {  	[sflag:s17] =	ssyncset.done $0x0  }
0x51: {  	[sflag:s17] =	ssyncadd.s32 $0xFFFFFF80  }
0x52: {  	[tilespmem:s19], [sflag:$0x4] =	stream.indirect.gather [hbm4b:s2+s7], $0x80, s11, s7, $0xb8;
	[tilespmem:$0x10200] =	vst v63  }
0x53: {  	_ =	swait.ge [sflag:s12], $0x4000  }
0x54: {  	[sflag:s12] =	ssyncset.done $0x0  }
0x55: {  	[sflag:s12] =	ssyncadd.s32 $0xFFFFC000  }
0x56: {  	[hbm4b:s20+s21] =	stream.strided.scatter [tilespmem:s13], [sflag:$0x1], $0x4000, s22, s21, $0x38;
	[tilespmem:$0x10200] =	vst v63  }
0x57: {  	_ =	swait.ge [sflag:s14], $0x4000  }
0x58: {  	[sflag:s14] =	ssyncset.done $0x0  }
0x59: {  	[sflag:s14] =	ssyncadd.s32 $0xFFFFC000  }
0x5a: {  	[hbm4b:s23+s21] =	stream.strided.scatter [tilespmem:s15], [sflag:$0x2], $0x4000, s22, s21, $0x38;
	[tilespmem:$0x10200] =	vst v63  }
0x5b: {  	_ =	swait.ge [sflag:s16], $0x4000  }
0x5c: {  	[sflag:s16] =	ssyncset.done $0x0  }
0x5d: {  	[sflag:s16] =	ssyncadd.s32 $0xFFFFC000  }
0x5e: {  	[hbm4b:s24+s21] =	stream.strided.scatter [tilespmem:s18], [sflag:$0x3], $0x4000, s22, s21, $0x38;
	[tilespmem:$0x10200] =	vst v63  }
0x5f: {  	_ =	swait.ge [sflag:s17], $0x4000  }
0x60: {  	[sflag:s17] =	ssyncset.done $0x0  }
0x61: {  	[sflag:s17] =	ssyncadd.s32 $0xFFFFC000  }
0x62: {  	[hbm4b:s25+s21] =	stream.strided.scatter [tilespmem:s19], [sflag:$0x4], $0x4000, s22, s21, $0x38;
	[tilespmem:$0x10200] =	vst v63  }
0x63: {  	_ =	swait.ge [sflag:s12], $0x4000  }
0x64: {  	[sflag:s12] =	ssyncset.done $0x0  }
0x65: {  	[sflag:s12] =	ssyncadd.s32 $0xFFFFC000  }
0x66: {  	_ =	swait.ge [sflag:s14], $0x4000  }
0x67: {  	[sflag:s14] =	ssyncset.done $0x0  }
0x68: {  	[sflag:s14] =	ssyncadd.s32 $0xFFFFC000  }
.Ltmp1:
0x69: {  	_ =	swait.ge [sflag:s16], $0x4000;
	(pc) =	sbr.rel @p0 .LBB2_1-.Ltmp1, $4  }
0x6a: {  	[sflag:s16] =	ssyncset.done $0x0  }
0x6b: {  	[sflag:s16] =	ssyncadd.s32 $0xFFFFC000  }
0x6c: {  	_ =	swait.ge [sflag:s17], $0x4000  }
0x6d: {  	[sflag:s17] =	ssyncset.done $0x0  }
.LBB2_2:
0x6e: {  	[sflag:s17] =	ssyncadd.s32 $0xFFFFC000  }
0x6f: {  	_ =	sfence.sel $0x180000  }
0x70: {  	[bflag:$0x0] =	sbarrier.arrive $0xFFFF  }
0x71: {  	p0 =	sne.s32 s0, $0x0;
	_ =	strace $0x9000004A  }
0x72: {  	s0 =	sadd.s32 @!p0 $0x100000, s3;
	[bflag:$0x2] =	sbarrier.arrive $0xFFFF  }
0x73: {  	[sflag:s0] =	ssyncadd.tile.s32 @!p0 $0x1;
	_ =	shalt  }
.Lfunc_end2:
_tile_overlayer_lowered:
.L_overlay_start_2:
0x74: {  	(tag) =	ssettag $0x2  }
0x75: {  	s0 =	rddreg [dreg:$0x0];
	s2 =	stileid.u32  }
0x76: {  	s1 =	rddreg [dreg:$0x1];
	p0 =	sne.s32 s2, $0x0  }
0x77: {  	s3 =	rddreg [dreg:$0x2];
	[bflag:$0x3] =	sbarrier.arrive $0xFFFF;
	s2 =	simm.s32 @!p0 $0x1C05  }
0x78: {  	[timem:s3], [sflag:s2] =	dma.local @!p0 [hbm:s0], s1  }
0x79: {  	s0 =	simm.s32 @!p0 $0x5  }
0x7a: {  	_ =	swait.ge @!p0 [sflag:s0], s1  }
0x7b: {  	s1 =	ssub.s32 @!p0 $0x0, s1;
	[sflag:s0] =	ssyncset.done @!p0 $0x0  }
0x7c: {  	[sflag:s0] =	ssyncadd.s32 @!p0 s1  }
0x7d: {  	[bflag:$0x3] =	sbarrier.arrive $0xFFFF  }
0x7e: {  	_ =	shalt  }

// kernel: kernel.9.cloned.1.call-start
scs
__scs_entry_jumppad:
0x0: {  	(pc) =	sbr.rel $0x88, $3  }
0x1: {  	(tag) =	ssettag $0x0;
	lr =	simm.s32 $0x1  }
0x2: {  	[smem:$0x3F97] =	sst lr;
	_ =	strace $0xD0000000  }
0x3: {  	_ = 	snop  }
0x4: {  	_ = 	snop  }
0x5: {  	_ = 	snop  }
0x6: {  	_ = 	snop  }
0x7: {  	_ = 	snop  }
__scs_overlays_trampoline_lowered:
0x8: {  	[smem:$0x3FA6] =	sst s0  }
0x9: {  	[smem:$0x3FA7] =	sst s1  }
0xa: {  	[smem:$0x3FA8] =	sst s2  }
0xb: {  	[smem:$0x3FA9] =	sst s3  }
0xc: {  	[smem:$0x3FAA] =	sst s4  }
0xd: {  	[smem:$0x3FAB] =	sst s5  }
0xe: {  	[smem:$0x3FAC] =	sst s6  }
0xf: {  	[smem:$0x3FAD] =	sst s7  }
0x10: {  	[smem:$0x3FAE] =	sst s8  }
0x11: {  	[smem:$0x3FAF] =	sst s9;
	s0 =	simm.s32 @!p0 $0x0  }
0x12: {  	s1 =	sld [smem:$0x3F95];
	s0 =	simm.s32 @p0 $0x1  }
0x13: {  	[smem:$0x3FB0] =	sst s0;
	s0 =	simm.s32 @!p1 $0x0  }
0x14: {  	s2 =	sld [smem:$0x3F94];
	s0 =	simm.s32 @p1 $0x1  }
0x15: {  	[smem:$0x3FB1] =	sst s0;
	s0 =	simm.s32 @!p2 $0x0  }
0x16: {  	s3 =	sld [smem:$0x3FDB];
	s0 =	simm.s32 @p2 $0x1  }
0x17: {  	s4 =	simm.s32 $0x1BF5;
	[smem:$0x3FB3] =	sst s0  }
0x18: {  	s0 =	sld [smem:$0x3F96];
	_ =	swait.ge [sflag:s4], $0x0  }
0x19: {  	s7 =	sld [smem:$0x3F97]  }
0x1a: {  	s8 =	sadd.s32 $0xFFFFE003, lr  }
0x1b: {  	s9 =	sadd.s32 $0xFFFFFEF7, lr;
	s5 =	simm.s32 $0xFFFFFFFF;
	p2 =	slt.u32 s8, $0xFFFFF086  }
0x1c: {  	p1 =	slt.u32 s9, $0xF7A;
	s5 =	simm.s32 @!p2 $0x0  }
0x1d: {  	s5 =	simm.s32 @p1 $0x1;
	p0 =	seq.s32 s7, s2  }
0x1e: {  	s7 =	smul.u32 @!p0 $0xF7A, s2;
	p2 =	seq.s32 @!p0 s5, $0x0  }
0x1f: {  	s9 =	smul.u32 $0xF7A, s1;
	s8 =	simm.s32 @!p0 $0x1BF5;
	p2 =	por !p2, p0  }
0x20: {  	[sflag:s8] =	ssyncset.s32 @!p0 $0xFFFFF086;
	s6 =	sadd.s32 @!p0 s3, s7;
	s7 =	simm.s32 @!p0 $0x108  }
0x21: {  	s3 =	sadd.s32 s3, s9;
	s6 =	sadd.s32 @!p0 $0x88, s6;
	s7 =	simm.s32 @p2 $0x1082  }
0x22: {  	[simem:s7], [sflag:s8] =	dma.local @!p0 [hbm:s6], $0xF7A  }
0x23: {  	s9 =	sor.u32 $0xD0000000, s2;
	s6 =	simm.s32 $0x108;
	_ =	swait.ge @!p0 [sflag:s8], $0x0  }
0x24: {  	s3 =	sadd.s32 $0x88, s3;
	s6 =	simm.s32 @!p1 $0x1082;
	[sflag:s4] =	ssyncset.s32 $0xFFFFF086  }
0x25: {  	[simem:s6], [sflag:s4] =	dma.local [hbm:s3], $0xF7A  }
0x26: {  	[smem:$0x3F97] =	sst s1;
	(tag) =	ssettag s2;
	_ =	strace s9  }
0x27: {  	s1 =	sld [smem:$0x3FA7]  }
0x28: {  	s2 =	sld [smem:$0x3FA8]  }
0x29: {  	s4 =	sld [smem:$0x3FAA]  }
0x2a: {  	p0 =	seq.s32 s5, $0x0;
	s5 =	sld [smem:$0x3FAB]  }
0x2b: {  	s6 =	sld [smem:$0x3FAC]  }
0x2c: {  	s7 =	sld [smem:$0x3FAD]  }
0x2d: {  	s3 =	simm.s32 $0x108;
	s8 =	sld [smem:$0x3FAE]  }
0x2e: {  	s3 =	simm.s32 @!p0 $0x1082;
	s9 =	sld [smem:$0x3FAF]  }
0x2f: {  	lr =	sadd.s32 s0, s3;
	s0 =	sld [smem:$0x3FA6]  }
0x30: {  	s3 =	sld [smem:$0x3FA9]  }
0x31: {  	[smem:$0x3FB2] =	sst s10  }
0x32: {  	s10 =	sld [smem:$0x3FB0];
	_ =	sdelay $0x3  }
0x33: {  	p0 =	seq.s32 s10, $0x1;
	s10 =	sld [smem:$0x3FB2];
	_ =	sdelay $0x3  }
0x34: {  	[smem:$0x3FB2] =	sst s10  }
0x35: {  	s10 =	sld [smem:$0x3FB1];
	_ =	sdelay $0x3  }
0x36: {  	p1 =	seq.s32 s10, $0x1;
	s10 =	sld [smem:$0x3FB2];
	_ =	sdelay $0x3  }
0x37: {  	[smem:$0x3FB2] =	sst s10  }
0x38: {  	s10 =	sld [smem:$0x3FB3]  }
0x39: {  	_ = 	snop;
	(pc) =	sbr.ind lr, $3  }
0x3a: {  	_ = 	snop  }
0x3b: {  	_ = 	snop  }
0x3c: {  	p2 =	seq.s32 s10, $0x1;
	s10 =	sld [smem:$0x3FB2]  }
0x3d: {  	_ =	shalt  }
0x3e: {  	_ =	shalt  }
0x3f: {  	_ =	shalt  }
0x40: {  	_ =	shalt  }
0x41: {  	_ =	shalt  }
0x42: {  	_ =	shalt  }
0x43: {  	_ =	shalt  }
0x44: {  	_ =	shalt  }
0x45: {  	_ =	shalt  }
0x46: {  	_ =	shalt  }
0x47: {  	_ =	shalt  }
0x48: {  	_ =	shalt  }
0x49: {  	_ =	shalt  }
0x4a: {  	_ =	shalt  }
0x4b: {  	_ =	shalt  }
0x4c: {  	_ =	shalt  }
0x4d: {  	_ =	shalt  }
0x4e: {  	_ =	shalt  }
0x4f: {  	_ =	shalt  }
0x50: {  	_ =	shalt  }
0x51: {  	_ =	shalt  }
0x52: {  	_ =	shalt  }
0x53: {  	_ =	shalt  }
0x54: {  	_ =	shalt  }
0x55: {  	_ =	shalt  }
0x56: {  	_ =	shalt  }
0x57: {  	_ =	shalt  }
0x58: {  	_ =	shalt  }
0x59: {  	_ =	shalt  }
0x5a: {  	_ =	shalt  }
0x5b: {  	_ =	shalt  }
0x5c: {  	_ =	shalt  }
0x5d: {  	_ =	shalt  }
0x5e: {  	_ =	shalt  }
0x5f: {  	_ =	shalt  }
0x60: {  	_ =	shalt  }
0x61: {  	_ =	shalt  }
0x62: {  	_ =	shalt  }
0x63: {  	_ =	shalt  }
0x64: {  	_ =	shalt  }
0x65: {  	_ =	shalt  }
0x66: {  	_ =	shalt  }
0x67: {  	_ =	shalt  }
0x68: {  	_ =	shalt  }
0x69: {  	_ =	shalt  }
0x6a: {  	_ =	shalt  }
0x6b: {  	_ =	shalt  }
0x6c: {  	_ =	shalt  }
0x6d: {  	_ =	shalt  }
0x6e: {  	_ =	shalt  }
0x6f: {  	_ =	shalt  }
0x70: {  	_ =	shalt  }
0x71: {  	_ =	shalt  }
0x72: {  	_ =	shalt  }
0x73: {  	_ =	shalt  }
0x74: {  	_ =	shalt  }
0x75: {  	_ =	shalt  }
0x76: {  	_ =	shalt  }
0x77: {  	_ =	shalt  }
0x78: {  	_ =	shalt  }
0x79: {  	_ =	shalt  }
0x7a: {  	_ =	shalt  }
0x7b: {  	_ =	shalt  }
0x7c: {  	_ =	shalt  }
0x7d: {  	_ =	shalt  }
0x7e: {  	_ =	shalt  }
0x7f: {  	_ =	shalt  }
0x80: {  	_ =	shalt  }
0x81: {  	_ =	shalt  }
0x82: {  	_ =	shalt  }
0x83: {  	_ =	shalt  }
0x84: {  	_ =	shalt  }
0x85: {  	_ =	shalt  }
0x86: {  	_ =	shalt  }
0x87: {  	_ =	shalt  }
.Lfunc_end0:
.L_simem_size_0:
called_computation.1_lowered:
.L_overlay_start_0:
0x88: {  	s2 =	sld [smem:$0x3FD9]  }
0x89: {  	s3 =	sld [smem:$0x3FFE];
	_ =	sdelay $0x1  }
0x8a: {  	s1 =	srdreg.scid  }
0x8b: {  	s0 =	sand.u32 $0x1, s1  }
0x8c: {  	s17 =	sshll.u32 s0, $0xA;
	s2 =	sadd.s32 s3, s2  }
0x8d: {  	s2 =	sadd.s32 s2, s17  }
0x8e: {  	[smem:$0x3FBE] =	sst s2  }
0x8f: {  	_ = 	snop  }
0x90: {  	s2 =	sld [smem:$0x3FC9]  }
0x91: {  	s18 =	sld [smem:$0x3FC8]  }
0x92: {  	s4 =	sld [smem:$0x3FC7]  }
0x93: {  	s5 =	sld [smem:$0x3FC6];
	(tm) =	ssettm $0x1  }
0x94: {  	s6 =	sld [smem:$0x3FFB];
	_ =	sdelay $0x3  }
0x95: {  	_ =	strace s6  }
0x96: {  	s6 =	sld [smem:$0x3FFC];
	_ =	sdelay $0x3  }
0x97: {  	_ =	strace s6  }
0x98: {  	s6 =	sld [smem:$0x3FFD];
	_ =	sdelay $0x3  }
0x99: {  	_ =	strace s6  }
0x9a: {  	_ =	strace $0x8FFFFFFF  }
0x9b: {  	s19 =	sld [smem:$0x3FDB];
	_ =	sdelay $0x1  }
0x9c: {  	s7 =	simm.s32 $_scs_section_size  }
0x9d: {  	s8 =	simm.s32 $_size__tile_overlayer_lowered;
	s9 =	simm.s32 $_tile_overlayer_lowered  }
0x9e: {  	s22 =	simm.s32 $0x1BFF;
	s21 =	sshll.u32 s9, $0x1;
	s6 =	sadd.s32 s7, s19  }
0x9f: {  	s10 =	simm.s32 $0x0;
	s20 =	sshll.u32 s8, $0x1;
	s8 =	sadd.s32 s21, s6  }
0xa0: {  	[timem:s10], [sflag:s22] =	dma.local [hbm:s8], s20  }
0xa1: {  	_ =	swait.ge [sflag:s22], s20  }
0xa2: {  	s7 =	ssub.s32 $0x0, s20;
	[sflag:s22] =	ssyncset.done $0x0  }
0xa3: {  	[sflag:s22] =	ssyncadd.s32 s7;
	_ =	sdelay $0x1  }
0xa4: {  	s23 =	simm.s32 $0x1B8B  }
0xa5: {  	_ =	swait.ge [sflag:s23], $0x1  }
0xa6: {  	[sflag:s23] =	ssyncset.done $0x0  }
0xa7: {  	s25 =	simm.s32 $0x1B8E;
	s24 =	sld [smem:$0x3FFE];
	[sflag:s23] =	ssyncadd.s32 $0xFFFFFFFF  }
0xa8: {  	s26 =	simm.s32 $execute0_lowered;
	[smem:$0x3FD2] =	sst s25  }
0xa9: {  	s8 =	sshll.u32 s26, $0x1;
	_ =	strace $0x80000046;
	[dreg:$0x1] =	wrdreg $0xFFFFFFFF  }
0xaa: {  	s28 =	simm.s32 $_size_execute0_lowered;
	s6 =	sadd.s32 s6, s8;
	[dreg:$0x0] =	wrdreg $0x0  }
0xab: {  	s8 =	sshll.u32 s28, $0x1;
	[dreg:$0x2] =	wrdreg s6  }
0xac: {  	[dreg:$0x3] =	wrdreg s8  }
0xad: {  	[dreg:$0x4] =	wrdreg $0xC0  }
0xae: {  	_ =	task [dreg:s10], $0x5FFFF  }
0xaf: {  	[dreg:$0x1] =	wrdreg $0xFFFFFFFF  }
0xb0: {  	[dreg:$0x0] =	wrdreg $0x60  }
0xb1: {  	[dreg:$0x2] =	wrdreg s4  }
0xb2: {  	[dreg:$0x3] =	wrdreg s5  }
0xb3: {  	[dreg:$0x4] =	wrdreg s2  }
0xb4: {  	[dreg:$0x5] =	wrdreg s18  }
0xb5: {  	[dreg:$0x6] =	wrdreg s24  }
0xb6: {  	[dreg:$0x7] =	wrdreg $0xA  }
0xb7: {  	_ =	task.clear_ibuf [dreg:s10], $0x8FFFF;
	_ =	strace $0x90000046  }
0xb8: {  	s29 =	simm.s32 $0xA;
	_ =	strace $0x80000048  }
0xb9: {  	_ =	swait.ge [sflag:s29], $0x1  }
0xba: {  	[sflag:s29] =	ssyncadd.s32 $0xFFFFFFFF  }
0xbb: {  	_ =	strace $0x90000048  }
0xbc: {  	_ =	sfence  }
0xbd: {  	s30 =	sld [smem:$0x0];
	_ =	sdelay $0x2  }
0xbe: {  	s31 =	sshll.u32 s1, $0xD;
	s1 =	sshrl.u32 s1, $0x2  }
0xbf: {  	s3 =	sand.u32 $0x4000, s31;
	s1 =	sadd.s32 s1, s30  }
0xc0: {  	s0 =	sor.u32 s3, s0;
	s1 =	sshll.u32 s1, $0x11  }
0xc1: {  	s0 =	sor.u32 s1, s0  }
0xc2: {  	s0 =	sadd.s32 $0x8F2B, s0  }
0xc3: {  	[sflag:s0] =	ssyncadd.remote.s32 $0x1  }
0xc4: {  	_ =	sfence.sel $0xFFFF  }
0xc5: {  	[dreg:$0x0] =	wrdreg $0xFFFFFFFF;
	(pc) =	sbr.abs _section_cstart, $3  }
0xc6: {  	[dreg:$0x1] =	wrdreg $0xFFFFFFFF  }
0xc7: {  	_ =	task.clear_ibuf [dreg:s10], $0x2FFFF;
	_ =	strace $0x9FFFFFFF  }
0xc8: {  	(tm) =	ssettm $0x7FFFFFFF  }
0xc9: {  	_ =	shalt  }
tec
execute0_lowered:
.L_overlay_start_1:
0x0: {  	(tag) =	ssettag $0x1  }
0x1: {  	s1 =	rddreg [dreg:$0x0]  }
0x2: {  	s2 =	rddreg [dreg:$0x1];
	s3 =	srdreg.scid  }
0x3: {  	s6 =	rddreg [dreg:$0x2];
	s0 =	stileid.u32;
	s26 =	sand.u32 $0x1, s3  }
0x4: {  	s10 =	rddreg [dreg:$0x3];
	s31 =	sshll.u32 s0, $0x9;
	s4 =	sshll.u32 s26, $0x8  }
0x5: {  	s20 =	rddreg [dreg:$0x4];
	s19 =	sor.u32 s4, s31  }
0x6: {  	s3 =	rddreg [dreg:$0x5];
	s4 =	simm.s32 $0x0;
	s7 =	sshrl.u32 s19, $0x3  }
0x7: {  	[smem:$0x7FF] =	sst s4;
	s8 =	sor.u32 $0x400, s7  }
0x8: {  	_ =	strace $0x80000047;
	s11 =	sor.u32 $0x410, s7;
	s5 =	sadd.s32 s6, s8  }
0x9: {  	[tilespmem:s4], [sflag:$0x1] =	stream.linear.gather [hbm4b:s5+s4], $0x80, $0x38;
	[tilespmem:$0x10200] =	vst v63  }
0xa: {  	s7 =	simm.s32 $0x80;
	s6 =	sadd.s32 s6, s11  }
0xb: {  	[tilespmem:s7], [sflag:$0x2] =	stream.linear.gather [hbm4b:s6+s4], $0x80, $0x38;
	[tilespmem:$0x10200] =	vst v63  }
0xc: {  	s9 =	simm.s32 $0x100;
	s8 =	sadd.s32 s10, s8  }
0xd: {  	[tilespmem:s9], [sflag:$0x3] =	stream.linear.gather [hbm4b:s8+s4], $0x80, $0x38;
	[tilespmem:$0x10200] =	vst v63  }
0xe: {  	s12 =	simm.s32 $0x1;
	s10 =	sadd.s32 s10, s11;
	s11 =	simm.s32 $0x180  }
0xf: {  	[tilespmem:s11], [sflag:$0x4] =	stream.linear.gather [hbm4b:s10+s4], $0x80, $0x38;
	[tilespmem:$0x10200] =	vst v63  }
0x10: {  	_ =	swait.ge [sflag:s12], $0x80  }
0x11: {  	[sflag:s12] =	ssyncset.done $0x0  }
0x12: {  	s13 =	simm.s32 $0x200;
	s14 =	simm.s32 $0x2;
	[sflag:s12] =	ssyncadd.s32 $0xFFFFFF80  }
0x13: {  	[tilespmem:s13], [sflag:$0x1] =	stream.indirect.gather [hbm4b:s1+s7], $0x80, s4, s7, $0xb8;
	[tilespmem:$0x10200] =	vst v63  }
0x14: {  	_ =	swait.ge [sflag:s14], $0x80  }
0x15: {  	[sflag:s14] =	ssyncset.done $0x0  }
0x16: {  	s15 =	simm.s32 $0x4200;
	s16 =	simm.s32 $0x3;
	[sflag:s14] =	ssyncadd.s32 $0xFFFFFF80  }
0x17: {  	[tilespmem:s15], [sflag:$0x2] =	stream.indirect.gather [hbm4b:s1+s7], $0x80, s7, s7, $0xb8;
	[tilespmem:$0x10200] =	vst v63  }
0x18: {  	_ =	swait.ge [sflag:s16], $0x80  }
0x19: {  	[sflag:s16] =	ssyncset.done $0x0  }
0x1a: {  	s18 =	simm.s32 $0x8200;
	s17 =	simm.s32 $0x4;
	[sflag:s16] =	ssyncadd.s32 $0xFFFFFF80  }
0x1b: {  	[tilespmem:s18], [sflag:$0x3] =	stream.indirect.gather [hbm4b:s2+s7], $0x80, s9, s7, $0xb8;
	[tilespmem:$0x10200] =	vst v63  }
0x1c: {  	_ =	swait.ge [sflag:s17], $0x80  }
0x1d: {  	[sflag:s17] =	ssyncset.done $0x0  }
0x1e: {  	s21 =	sshll.u32 s19, $0x5;
	s19 =	simm.s32 $0xC200;
	[sflag:s17] =	ssyncadd.s32 $0xFFFFFF80  }
0x1f: {  	[tilespmem:s19], [sflag:$0x4] =	stream.indirect.gather [hbm4b:s2+s7], $0x80, s11, s7, $0xb8;
	[tilespmem:$0x10200] =	vst v63  }
0x20: {  	_ =	swait.ge [sflag:s12], $0x4000  }
0x21: {  	s22 =	simm.s32 $0x800;
	s25 =	sadd.s32 s21, s20;
	[sflag:s12] =	ssyncset.done $0x0  }
0x22: {  	s21 =	simm.s32 $0x400;
	s20 =	sadd.s32 $0x1600, s25;
	[sflag:s12] =	ssyncadd.s32 $0xFFFFC000  }
0x23: {  	[hbm4b:s20+s21] =	stream.strided.scatter [tilespmem:s13], [sflag:$0x1], $0x4000, s22, s21, $0x38;
	[tilespmem:$0x10200] =	vst v63  }
0x24: {  	_ =	swait.ge [sflag:s14], $0x4000  }
0x25: {  	[sflag:s14] =	ssyncset.done $0x0  }
0x26: {  	s23 =	sadd.s32 $0x2600, s25;
	[sflag:s14] =	ssyncadd.s32 $0xFFFFC000  }
0x27: {  	[hbm4b:s23+s21] =	stream.strided.scatter [tilespmem:s15], [sflag:$0x2], $0x4000, s22, s21, $0x38;
	[tilespmem:$0x10200] =	vst v63  }
0x28: {  	_ =	swait.ge [sflag:s16], $0x4000  }
0x29: {  	[sflag:s16] =	ssyncset.done $0x0  }
0x2a: {  	s24 =	sadd.s32 $0x1680, s25;
	[sflag:s16] =	ssyncadd.s32 $0xFFFFC000  }
0x2b: {  	[hbm4b:s24+s21] =	stream.strided.scatter [tilespmem:s18], [sflag:$0x3], $0x4000, s22, s21, $0x38;
	[tilespmem:$0x10200] =	vst v63  }
0x2c: {  	_ =	swait.ge [sflag:s17], $0x4000  }
0x2d: {  	[sflag:s17] =	ssyncset.done $0x0  }
0x2e: {  	s25 =	sadd.s32 $0x2680, s25;
	[sflag:s17] =	ssyncadd.s32 $0xFFFFC000  }
0x2f: {  	[hbm4b:s25+s21] =	stream.strided.scatter [tilespmem:s19], [sflag:$0x4], $0x4000, s22, s21, $0x38;
	[tilespmem:$0x10200] =	vst v63  }
0x30: {  	_ =	swait.ge [sflag:s12], $0x4000  }
0x31: {  	s26 =	ssub.s32 $0x2, s26;
	[sflag:s12] =	ssyncset.done $0x0  }
0x32: {  	s28 =	sshrl.u32 s26, $0x1;
	[sflag:s12] =	ssyncadd.s32 $0xFFFFC000  }
0x33: {  	s26 =	ssub.s32 s26, s28;
	_ =	swait.ge [sflag:s14], $0x4000  }
0x34: {  	s26 =	smax.u32 s26, $0x1;
	[sflag:s14] =	ssyncset.done $0x0  }
0x35: {  	p0 =	sne.s32 s26, $0x1;
	[sflag:s14] =	ssyncadd.s32 $0xFFFFC000  }
.Ltmp0:
0x36: {  	_ =	swait.ge [sflag:s16], $0x4000;
	(pc) =	sbr.rel @!p0 .LBB2_2-.Ltmp0, $4  }
0x37: {  	[sflag:s16] =	ssyncset.done $0x0  }
0x38: {  	[sflag:s16] =	ssyncadd.s32 $0xFFFFC000  }
0x39: {  	_ =	swait.ge [sflag:s17], $0x4000  }
0x3a: {  	s26 =	sadd.s32 $0xFFFFFFFF, s26;
	[sflag:s17] =	ssyncset.done $0x0  }
.LBB2_1:
0x3b: {  	p0 =	sne.s32 s26, $0x1;
	s26 =	sadd.s32 $0xFFFFFFFF, s26;
	[sflag:s17] =	ssyncadd.s32 $0xFFFFC000  }
0x3c: {  	[tilespmem:s4], [sflag:$0x1] =	stream.linear.gather [hbm4b:s5+s4], $0x80, $0x38;
	[tilespmem:$0x10200] =	vst v63  }
0x3d: {  	_ = 	snop  }
0x3e: {  	[tilespmem:s7], [sflag:$0x2] =	stream.linear.gather [hbm4b:s6+s4], $0x80, $0x38;
	[tilespmem:$0x10200] =	vst v63  }
0x3f: {  	_ = 	snop  }
0x40: {  	[tilespmem:s9], [sflag:$0x3] =	stream.linear.gather [hbm4b:s8+s4], $0x80, $0x38;
	[tilespmem:$0x10200] =	vst v63  }
0x41: {  	_ = 	snop  }
0x42: {  	[tilespmem:s11], [sflag:$0x4] =	stream.linear.gather [hbm4b:s10+s4], $0x80, $0x38;
	[tilespmem:$0x10200] =	vst v63  }
0x43: {  	_ =	swait.ge [sflag:s12], $0x80  }
0x44: {  	[sflag:s12] =	ssyncset.done $0x0  }
0x45: {  	[sflag:s12] =	ssyncadd.s32 $0xFFFFFF80  }
0x46: {  	[tilespmem:s13], [sflag:$0x1] =	stream.indirect.gather [hbm4b:s1+s7], $0x80, s4, s7, $0xb8;
	[tilespmem:$0x10200] =	vst v63  }
0x47: {  	_ =	swait.ge [sflag:s14], $0x80  }
0x48: {  	[sflag:s14] =	ssyncset.done $0x0  }
0x49: {  	[sflag:s14] =	ssyncadd.s32 $0xFFFFFF80  }
0x4a: {  	[tilespmem:s15], [sflag:$0x2] =	stream.indirect.gather [hbm4b:s1+s7], $0x80, s7, s7, $0xb8;
	[tilespmem:$0x10200] =	vst v63  }
0x4b: {  	_ =	swait.ge [sflag:s16], $0x80  }
0x4c: {  	[sflag:s16] =	ssyncset.done $0x0  }
0x4d: {  	[sflag:s16] =	ssyncadd.s32 $0xFFFFFF80  }
0x4e: {  	[tilespmem:s18], [sflag:$0x3] =	stream.indirect.gather [hbm4b:s2+s7], $0x80, s9, s7, $0xb8;
	[tilespmem:$0x10200] =	vst v63  }
0x4f: {  	_ =	swait.ge [sflag:s17], $0x80  }
0x50: {  	[sflag:s17] =	ssyncset.done $0x0  }
0x51: {  	[sflag:s17] =	ssyncadd.s32 $0xFFFFFF80  }
0x52: {  	[tilespmem:s19], [sflag:$0x4] =	stream.indirect.gather [hbm4b:s2+s7], $0x80, s11, s7, $0xb8;
	[tilespmem:$0x10200] =	vst v63  }
0x53: {  	_ =	swait.ge [sflag:s12], $0x4000  }
0x54: {  	[sflag:s12] =	ssyncset.done $0x0  }
0x55: {  	[sflag:s12] =	ssyncadd.s32 $0xFFFFC000  }
0x56: {  	[hbm4b:s20+s21] =	stream.strided.scatter [tilespmem:s13], [sflag:$0x1], $0x4000, s22, s21, $0x38;
	[tilespmem:$0x10200] =	vst v63  }
0x57: {  	_ =	swait.ge [sflag:s14], $0x4000  }
0x58: {  	[sflag:s14] =	ssyncset.done $0x0  }
0x59: {  	[sflag:s14] =	ssyncadd.s32 $0xFFFFC000  }
0x5a: {  	[hbm4b:s23+s21] =	stream.strided.scatter [tilespmem:s15], [sflag:$0x2], $0x4000, s22, s21, $0x38;
	[tilespmem:$0x10200] =	vst v63  }
0x5b: {  	_ =	swait.ge [sflag:s16], $0x4000  }
0x5c: {  	[sflag:s16] =	ssyncset.done $0x0  }
0x5d: {  	[sflag:s16] =	ssyncadd.s32 $0xFFFFC000  }
0x5e: {  	[hbm4b:s24+s21] =	stream.strided.scatter [tilespmem:s18], [sflag:$0x3], $0x4000, s22, s21, $0x38;
	[tilespmem:$0x10200] =	vst v63  }
0x5f: {  	_ =	swait.ge [sflag:s17], $0x4000  }
0x60: {  	[sflag:s17] =	ssyncset.done $0x0  }
0x61: {  	[sflag:s17] =	ssyncadd.s32 $0xFFFFC000  }
0x62: {  	[hbm4b:s25+s21] =	stream.strided.scatter [tilespmem:s19], [sflag:$0x4], $0x4000, s22, s21, $0x38;
	[tilespmem:$0x10200] =	vst v63  }
0x63: {  	_ =	swait.ge [sflag:s12], $0x4000  }
0x64: {  	[sflag:s12] =	ssyncset.done $0x0  }
0x65: {  	[sflag:s12] =	ssyncadd.s32 $0xFFFFC000  }
0x66: {  	_ =	swait.ge [sflag:s14], $0x4000  }
0x67: {  	[sflag:s14] =	ssyncset.done $0x0  }
0x68: {  	[sflag:s14] =	ssyncadd.s32 $0xFFFFC000  }
.Ltmp1:
0x69: {  	_ =	swait.ge [sflag:s16], $0x4000;
	(pc) =	sbr.rel @p0 .LBB2_1-.Ltmp1, $4  }
0x6a: {  	[sflag:s16] =	ssyncset.done $0x0  }
0x6b: {  	[sflag:s16] =	ssyncadd.s32 $0xFFFFC000  }
0x6c: {  	_ =	swait.ge [sflag:s17], $0x4000  }
0x6d: {  	[sflag:s17] =	ssyncset.done $0x0  }
.LBB2_2:
0x6e: {  	[sflag:s17] =	ssyncadd.s32 $0xFFFFC000  }
0x6f: {  	_ =	sfence.sel $0x180000  }
0x70: {  	[bflag:$0x0] =	sbarrier.arrive $0xFFFF  }
0x71: {  	p0 =	sne.s32 s0, $0x0;
	_ =	strace $0x90000047  }
0x72: {  	s0 =	sadd.s32 @!p0 $0x100000, s3;
	[bflag:$0x2] =	sbarrier.arrive $0xFFFF  }
0x73: {  	[sflag:s0] =	ssyncadd.tile.s32 @!p0 $0x1;
	_ =	shalt  }
.Lfunc_end2:
_tile_overlayer_lowered:
.L_overlay_start_2:
0x74: {  	(tag) =	ssettag $0x2  }
0x75: {  	s0 =	rddreg [dreg:$0x0];
	s2 =	stileid.u32  }
0x76: {  	s1 =	rddreg [dreg:$0x1];
	p0 =	sne.s32 s2, $0x0  }
0x77: {  	s3 =	rddreg [dreg:$0x2];
	[bflag:$0x3] =	sbarrier.arrive $0xFFFF;
	s2 =	simm.s32 @!p0 $0x1C05  }
0x78: {  	[timem:s3], [sflag:s2] =	dma.local @!p0 [hbm:s0], s1  }
0x79: {  	s0 =	simm.s32 @!p0 $0x5  }
0x7a: {  	_ =	swait.ge @!p0 [sflag:s0], s1  }
0x7b: {  	s1 =	ssub.s32 @!p0 $0x0, s1;
	[sflag:s0] =	ssyncset.done @!p0 $0x0  }
0x7c: {  	[sflag:s0] =	ssyncadd.s32 @!p0 s1  }
0x7d: {  	[bflag:$0x3] =	sbarrier.arrive $0xFFFF  }
0x7e: {  	_ =	shalt  }

</sc_bundles>
